<compile_context>
chip_gen: v7x
topology: tpu7x:2x2x1
jax: 0.10.2.dev20260603
libtpu: 0.0.44.dev20260713+nightly
codegen_flags: <defaults>
</compile_context>

<pallas_src>
import functools

import jax
import jax.numpy as jnp
from jax import lax
from jax.experimental import pallas as pl
from jax.experimental.pallas import tpu as pltpu
from jax.experimental.pallas import tpu_sc as plsc

NC = 2
NS = 16
NW = NC * NS


def _attention(embsumm, mel, enc, mens, maskf, encsumm, mixer_W, mixer_b):
    B, MZ, D = mens.shape
    E = mel.shape[2]
    Bb = 16 if B % 16 == 0 else B

    def body(emb_r, mel_r, enc_r, mens_r, mask_r, encs_r, mw_r, mb_r,
             summ_o, vals_o, mix0_o):
        def _rb(x):
            return x.astype(jnp.bfloat16)

        bdot = functools.partial(
            lax.dot_general,
            dimension_numbers=(((2,), (1,)), ((0,), (0,))),
            preferred_element_type=jnp.float32)
        mens_v = mens_r[...]
        enc_v = enc_r[...]
        w = bdot(_rb(mens_v), _rb(enc_v))
        melb = _rb(mel_r[...]).astype(jnp.float32)
        embb = _rb(emb_r[...]).astype(jnp.float32)
        w = w + jnp.sum(melb * embb[:, None, :], axis=2)
        mask = mask_r[...]
        wm = jnp.where(mask > 0, w, -1e30)
        m = jnp.max(wm, axis=1, keepdims=True)
        e = jnp.where(mask > 0, jnp.exp(wm - m), 0.0)
        s = jnp.sum(e, axis=1, keepdims=True)
        alphas = e / s
        summ_o[...] = lax.dot_general(
            alphas, mens_v, (((1,), (1,)), ((0,), (0,))),
            precision=lax.Precision.HIGHEST,
            preferred_element_type=jnp.float32)
        h = jnp.concatenate([encs_r[...], enc_v], axis=1)
        l01 = lax.dot_general(
            h.astype(jnp.bfloat16), mw_r[...].astype(jnp.bfloat16),
            (((1,), (1,)), ((), ())),
            preferred_element_type=jnp.float32)
        l01 = l01 + mb_r[...][None, :]
        d = l01[:, 1] - l01[:, 0]
        mix0 = 1.0 / (1.0 + jnp.exp(d))
        mix1 = 1.0 / (1.0 + jnp.exp(-d))
        vals_o[...] = alphas * mix1[:, None]
        mix0_o[...] = jnp.broadcast_to(mix0[:, None], (Bb, 128))

    grid = (B // Bb,)
    return pl.pallas_call(
        body,
        grid=grid,
        in_specs=[
            pl.BlockSpec((Bb, E), lambda i: (i, 0)),
            pl.BlockSpec((Bb, MZ, E), lambda i: (i, 0, 0)),
            pl.BlockSpec((Bb, D), lambda i: (i, 0)),
            pl.BlockSpec((Bb, MZ, D), lambda i: (i, 0, 0)),
            pl.BlockSpec((Bb, MZ), lambda i: (i, 0)),
            pl.BlockSpec((Bb, D), lambda i: (i, 0)),
            pl.BlockSpec((2, 2 * D), lambda i: (0, 0)),
            pl.BlockSpec((2,), lambda i: (0,)),
        ],
        out_specs=[
            pl.BlockSpec((Bb, D), lambda i: (i, 0)),
            pl.BlockSpec((Bb, MZ), lambda i: (i, 0)),
            pl.BlockSpec((Bb, 128), lambda i: (i, 0)),
        ],
        out_shape=[
            jax.ShapeDtypeStruct((B, D), jnp.float32),
            jax.ShapeDtypeStruct((B, MZ), jnp.float32),
            jax.ShapeDtypeStruct((B, 128), jnp.float32),
        ],
    )(embsumm, mel, enc, mens, maskf, encsumm, mixer_W, mixer_b)


def _vocab_pass1(h, W, bias, umask, VB):
    B, D2 = h.shape
    V = W.shape[0]
    NB = -(-V // VB)

    def body(h_r, w_r, b_r, um_r, p_o, ms_o):
        nb = pl.program_id(0)
        l = lax.dot_general(
            h_r[...].astype(jnp.bfloat16), w_r[...].astype(jnp.bfloat16),
            (((1,), (1,)), ((), ())),
            preferred_element_type=jnp.float32)
        l = l + b_r[...][None, :]
        msk = um_r[...]
        col = nb * VB + lax.broadcasted_iota(jnp.int32, (1, VB), 1)
        valid = (col < V) & (msk[None, :] > 0)
        lm = jnp.where(valid, l, -1e30)
        m = jnp.max(lm, axis=1)
        e = jnp.where(valid, jnp.exp(lm - m[:, None]), 0.0)
        p_o[...] = e
        ms_o[0, 0, :] = m
        ms_o[0, 1, :] = jnp.sum(e, axis=1)

    return pl.pallas_call(
        body,
        grid=(NB,),
        in_specs=[
            pl.BlockSpec((B, D2), lambda nb: (0, 0)),
            pl.BlockSpec((VB, D2), lambda nb: (nb, 0)),
            pl.BlockSpec((VB,), lambda nb: (nb,)),
            pl.BlockSpec((VB,), lambda nb: (nb,)),
        ],
        out_specs=[
            pl.BlockSpec((B, VB), lambda nb: (0, nb)),
            pl.BlockSpec((1, 2, B), lambda nb: (nb, 0, 0)),
        ],
        out_shape=[
            jax.ShapeDtypeStruct((B, NB * VB), jnp.float32),
            jax.ShapeDtypeStruct((NB, 2, B), jnp.float32),
        ],
    )(h, W, bias, umask)


def _sc_combine(P, crep, ids, vals, V, VB):
    B, VP = P.shape
    NB = VP // VB
    MZ = ids.shape[1]
    VTAIL = V - (NB - 1) * VB
    RW = B // NW
    mesh = plsc.VectorSubcoreMesh(core_axis_name="c", subcore_axis_name="s")
    Pf = P.reshape(B * VP)

    NBF = NB - 1
    QS = [0, NBF // 4, NBF // 2, (3 * NBF) // 4, NBF]
    QW = [QS[0] * VB, QS[1] * VB, QS[2] * VB, QS[3] * VB, V]

    def body(p_hbm, crep_hbm, ids_hbm, vals_hbm, out_hbm,
             rowbuf, ids_v, vals_v, crep_v, probe,
             sem0, sem1, sem2, sem3):
        wid = lax.axis_index("c") * NS + lax.axis_index("s")
        lane = lax.iota(jnp.int32, 16)
        sems = [sem0, sem1, sem2, sem3]

        def row_body(r, c):
            b = wid * RW + r
            handles = []
            for q in range(4):
                lo, hi = QW[q], QW[q + 1]
                handles.append(pltpu.async_copy(
                    p_hbm.at[pl.ds(b * VP + lo, hi - lo)],
                    rowbuf.at[pl.ds(lo, hi - lo)], sems[q]))
            pltpu.sync_copy(ids_hbm.at[b], ids_v)
            pltpu.sync_copy(vals_hbm.at[b], vals_v)
            pltpu.sync_copy(crep_hbm.at[b], crep_v)

            def blk(nb, c2):
                cvec = crep_v[pl.ds(nb * 16, 16)]
                base = nb * VB

                @plsc.parallel_loop(0, VB // 16, 1, unroll=8)
                def _scale(i):
                    o = base + i * 16
                    rowbuf[pl.ds(o, 16)] = rowbuf[pl.ds(o, 16)] * cvec
                return c2
            for q in range(4):
                handles[q].wait()
                lax.fori_loop(QS[q], QS[q + 1], blk, 0)
            tvec = crep_v[pl.ds(NBF * 16, 16)]

            @plsc.parallel_loop(0, VTAIL // 16, 1, unroll=8)
            def _scale_tail(i):
                o = NBF * VB + i * 16
                rowbuf[pl.ds(o, 16)] = rowbuf[pl.ds(o, 16)] * tvec

            def scat(j, c2):
                k = ids_v[pl.ds(j * 16, 16)]
                v = vals_v[pl.ds(j * 16, 16)]
                hk = jnp.bitwise_and(k, 1023)
                plsc.store_scatter(probe, [hk], lane)
                rb = plsc.load_gather(probe, [hk])
                cnt = plsc.all_reduce_population_count(rb == lane)
                nodup = jnp.max(cnt) == 16

                @pl.when(nodup)
                def _fast():
                    plsc.addupdate_scatter(rowbuf, [k], v)

                @pl.when(jnp.logical_not(nodup))
                def _slow():
                    for t in range(16):
                        plsc.addupdate_scatter(rowbuf, [k], v, mask=lane == t)
                return c2
            lax.fori_loop(0, MZ // 16, scat, 0)

            pltpu.sync_copy(rowbuf, out_hbm.at[b])
            return c
        lax.fori_loop(0, RW, row_body, 0)

    f = pl.kernel(
        body,
        out_type=jax.ShapeDtypeStruct((B, V), jnp.float32),
        mesh=mesh,
        compiler_params=pltpu.CompilerParams(needs_layout_passes=False),
        scratch_types=[
            pltpu.VMEM((V,), jnp.float32),
            pltpu.VMEM((MZ,), jnp.int32),
            pltpu.VMEM((MZ,), jnp.float32),
            pltpu.VMEM((NB * 16,), jnp.float32),
            pltpu.VMEM((1024,), jnp.int32),
            pltpu.SemaphoreType.DMA,
            pltpu.SemaphoreType.DMA,
            pltpu.SemaphoreType.DMA,
            pltpu.SemaphoreType.DMA,
        ],
    )
    return f(Pf, crep, ids, vals)


def kernel(enc, encsumm, embsumm, memencs, memencsumm, memembsumm, memmask,
           memids, outlin_W, outlin_b, mixer_W, mixer_b, unktok_mask):
    B, D = enc.shape
    M, Z = memids.shape[1], memids.shape[2]
    MZ = M * Z
    V = unktok_mask.shape[0]
    VB = 2048

    mel = memembsumm.reshape(B, MZ, memembsumm.shape[3])
    mens = memencs.reshape(B, MZ, D)
    maskf = memmask.reshape(B, MZ)

    summ, vals, mix0r = _attention(
        embsumm, mel, enc, mens, maskf, encsumm, mixer_W, mixer_b)

    h = jnp.concatenate([encsumm, enc], axis=-1)
    P, ms = _vocab_pass1(h, outlin_W, outlin_b, unktok_mask, VB)

    m_loc = ms[:, 0, :].T
    s_loc = ms[:, 1, :].T
    gmax = jnp.max(m_loc, axis=1, keepdims=True)
    r = jnp.exp(m_loc - gmax)
    denom = jnp.sum(r * s_loc, axis=1, keepdims=True)
    coeff = r / denom * mix0r[:, :1]
    crep = jnp.repeat(coeff, 16, axis=1)

    ids = memids.reshape(B, MZ)
    probs = _sc_combine(P, crep, ids, vals, V, VB)
    return (probs, summ)

# --- scband reference (transcript-rebuilt; emitter-appended) ---
"""Pipeline reference for scband-decoder-output-layer-68891275427867 (READ-ONLY COPY).

The authoritative reference and input builder live on the scoring server;
editing this copy changes nothing except your own understanding.
"""

import jax, jax.numpy as jnp
import numpy as np

B, M, Z, DIM, EMB, V = 256, 16, 50, 128, 64, 100000


def setup_inputs(seed: int = 0) -> dict:
    key = jax.random.key(seed)
    ks = jax.random.split(key, 12)
    enc = jax.random.normal(ks[0], (B, DIM), jnp.float32)
    encsumm = jax.random.normal(ks[1], (B, DIM), jnp.float32)
    embsumm = jax.random.normal(ks[2], (B, EMB), jnp.float32)
    memencs = jax.random.normal(ks[3], (B, M, Z, DIM), jnp.float32)
    memencsumm = jax.random.normal(ks[4], (B, M, Z, DIM), jnp.float32)
    memembsumm = jax.random.normal(ks[5], (B, M, Z, EMB), jnp.float32)
    memmask = jnp.ones((B, M, Z), jnp.float32)
    memids = jax.random.randint(ks[6], (B, M, Z), 0, V, dtype=jnp.int32)
    outlin_W = jax.random.normal(ks[7], (V, 2 * DIM), jnp.float32) * 0.02
    outlin_b = jnp.zeros((V,), jnp.float32)
    mixer_W = jax.random.normal(ks[8], (2, 2 * DIM), jnp.float32) * 0.02
    mixer_b = jnp.zeros((2,), jnp.float32)
    unktok_mask = jnp.ones((V,), jnp.float32).at[0].set(0.0)
    return {
        "enc": enc, "encsumm": encsumm, "embsumm": embsumm,
        "memencs": memencs, "memencsumm": memencsumm, "memembsumm": memembsumm,
        "memmask": memmask, "memids": memids,
        "outlin_W": outlin_W, "outlin_b": outlin_b,
        "mixer_W": mixer_W, "mixer_b": mixer_b,
        "unktok_mask": unktok_mask,
    }


def reference(enc, encsumm, embsumm, memencs, memencsumm, memembsumm, memmask, memids, outlin_W, outlin_b, mixer_W, mixer_b, unktok_mask):
    b = enc.shape[0]
    v = unktok_mask.shape[0]
    query = jnp.concatenate([embsumm, jnp.zeros_like(encsumm), enc], axis=-1)
    keys = jnp.concatenate([memembsumm, jnp.zeros_like(memencsumm), memencs], axis=-1)
    mem_weights = jnp.einsum('bd,bmzd->bmz', query, keys)
    mem_weights = mem_weights + jnp.log(memmask)
    mem_weights = mem_weights.reshape(b, -1)
    mem_alphas = jax.nn.softmax(mem_weights, axis=-1)
    mem_flat = memencs.reshape(b, memencs.shape[1] * memencs.shape[2], memencs.shape[3])
    mem_enc_summ = (mem_alphas[:, :, None] * mem_flat).sum(axis=1)
    mem_toks = memids.reshape(b, -1)
    probs_mem = jnp.zeros((b, v), enc.dtype).at[jnp.arange(b)[:, None], mem_toks].add(mem_alphas)
    h = jnp.concatenate([encsumm, enc], axis=-1)
    logits_gen = h @ outlin_W.T + outlin_b
    logits_gen = logits_gen + jnp.log(unktok_mask)[None, :]
    probs_gen = jax.nn.softmax(logits_gen, axis=-1)
    mix = jax.nn.softmax(h @ mixer_W.T + mixer_b, axis=-1)
    probs = mix[:, 0:1] * probs_gen + mix[:, 1:2] * probs_mem
    _probs = jnp.stack([jnp.zeros_like(probs), probs], axis=0)
    idx = (probs != 0).astype(jnp.int32)[None]
    probs = jnp.take_along_axis(_probs, idx, axis=0)[0]
    return (probs, mem_enc_summ)

if __name__ == "__main__":
    import jax
    _d = setup_inputs()
    print(jax.jit(kernel)(*tuple(_d.values())))

</pallas_src>

<mosaic_0001>
#map = affine_map<(d0, d1) -> (0)>
#map1 = affine_map<(d0, d1) -> (0, 0)>
module attributes {stable_mosaic.version = 14 : i64} {
  func.func @body(%arg0: i32, %arg1: i32, %arg2: memref<25690112xf32, #tpu.memory_space<hbm>>, %arg3: memref<256x784xf32, #tpu.memory_space<hbm>>, %arg4: memref<256x800xi32, #tpu.memory_space<hbm>>, %arg5: memref<256x800xf32, #tpu.memory_space<hbm>>, %arg6: memref<256x100000xf32, #tpu.memory_space<hbm>>, %arg7: memref<100000xf32, #tpu.memory_space<vmem>>, %arg8: memref<800xi32, #tpu.memory_space<vmem>>, %arg9: memref<800xf32, #tpu.memory_space<vmem>>, %arg10: memref<784xf32, #tpu.memory_space<vmem>>, %arg11: memref<1024xi32, #tpu.memory_space<vmem>>, %arg12: memref<!tpu.dma_semaphore, #tpu.memory_space<semaphore_mem>>, %arg13: memref<!tpu.dma_semaphore, #tpu.memory_space<semaphore_mem>>, %arg14: memref<!tpu.dma_semaphore, #tpu.memory_space<semaphore_mem>>, %arg15: memref<!tpu.dma_semaphore, #tpu.memory_space<semaphore_mem>>) attributes {dimension_semantics = [#tpu.dimension_semantics<core_parallel>, #tpu.dimension_semantics<subcore_parallel>], iteration_bounds = array<i64: 2, 16>, scalar_prefetch = 0 : i64, scratch_operands = 9 : i64, tpu.core_type = #tpu.core_type<sc_vector_subcore>, window_params = [{transform_indices = #map}, {transform_indices = #map1}, {transform_indices = #map1}, {transform_indices = #map1}, {transform_indices = #map1}]} {
    %mul3A = arith.constant 16 : i32
    %mul3A_0 = arith.muli %arg0, %mul3A : i32
    %add3A = arith.addi %mul3A_0, %arg1 : i32
    %iota3A = tpu.iota {dimensions = array<i32: 0>} : vector<16xi32>
    %scan3A = arith.constant 0 : i32
    %scan3A_1 = arith.constant 0 : i32
    %scan3A_2 = arith.constant 8 : i32
    %scan3A_3 = arith.addi %scan3A_1, %scan3A_2 : i32
    %scan3A_4 = arith.constant 1 : i32
    scf.for %scan3A_6 = %scan3A_1 to %scan3A_3 step %scan3A_4  : i32 {
      %mul3A_7 = arith.constant 8 : i32
      %mul3A_8 = arith.muli %add3A, %mul3A_7 : i32
      %add3A_9 = arith.addi %mul3A_8, %scan3A_6 : i32
      %mul3A_10 = arith.constant 100352 : i32
      %mul3A_11 = arith.muli %add3A_9, %mul3A_10 : i32
      %add3A_12 = arith.constant 0 : i32
      %add3A_13 = arith.addi %mul3A_11, %add3A_12 : i32
      %dma_start3A = arith.constant 0 : i32
      %dma_start3A_14 = tpu.memref_slice %arg7[%dma_start3A] : memref<100000xf32, #tpu.memory_space<vmem>> -> memref<24576xf32, #tpu.memory_space<vmem>>
      %dma_start3A_15 = tpu.memref_slice %arg2[%add3A_13] : memref<25690112xf32, #tpu.memory_space<hbm>> -> memref<24576xf32, #tpu.memory_space<hbm>>
      %dma_start3A_16 = arith.constant 0 : i32
      %dma_start3A_17 = tpu.memref_slice %arg7[%dma_start3A_16] : memref<100000xf32, #tpu.memory_space<vmem>> -> memref<24576xf32, #tpu.memory_space<vmem>>
      %dma_start3A_18 = tpu.memref_slice %arg2[%add3A_13] : memref<25690112xf32, #tpu.memory_space<hbm>> -> memref<24576xf32, #tpu.memory_space<hbm>>
      tpu.enqueue_dma source(%dma_start3A_18 : memref<24576xf32, #tpu.memory_space<hbm>>) target(%dma_start3A_17 : memref<24576xf32, #tpu.memory_space<vmem>>) target_semaphore(%arg12 : memref<!tpu.dma_semaphore, #tpu.memory_space<semaphore_mem>>)
      %mul3A_19 = arith.constant 100352 : i32
      %mul3A_20 = arith.muli %add3A_9, %mul3A_19 : i32
      %add3A_21 = arith.constant 24576 : i32
      %add3A_22 = arith.addi %mul3A_20, %add3A_21 : i32
      %dma_start3A_23 = arith.constant 24576 : i32
      %dma_start3A_24 = tpu.memref_slice %arg7[%dma_start3A_23] : memref<100000xf32, #tpu.memory_space<vmem>> -> memref<24576xf32, #tpu.memory_space<vmem>>
      %dma_start3A_25 = tpu.memref_slice %arg2[%add3A_22] : memref<25690112xf32, #tpu.memory_space<hbm>> -> memref<24576xf32, #tpu.memory_space<hbm>>
      %dma_start3A_26 = arith.constant 24576 : i32
      %dma_start3A_27 = tpu.memref_slice %arg7[%dma_start3A_26] : memref<100000xf32, #tpu.memory_space<vmem>> -> memref<24576xf32, #tpu.memory_space<vmem>>
      %dma_start3A_28 = tpu.memref_slice %arg2[%add3A_22] : memref<25690112xf32, #tpu.memory_space<hbm>> -> memref<24576xf32, #tpu.memory_space<hbm>>
      tpu.enqueue_dma source(%dma_start3A_28 : memref<24576xf32, #tpu.memory_space<hbm>>) target(%dma_start3A_27 : memref<24576xf32, #tpu.memory_space<vmem>>) target_semaphore(%arg13 : memref<!tpu.dma_semaphore, #tpu.memory_space<semaphore_mem>>)
      %mul3A_29 = arith.constant 100352 : i32
      %mul3A_30 = arith.muli %add3A_9, %mul3A_29 : i32
      %add3A_31 = arith.constant 49152 : i32
      %add3A_32 = arith.addi %mul3A_30, %add3A_31 : i32
      %dma_start3A_33 = arith.constant 49152 : i32
      %dma_start3A_34 = tpu.memref_slice %arg7[%dma_start3A_33] : memref<100000xf32, #tpu.memory_space<vmem>> -> memref<24576xf32, #tpu.memory_space<vmem>>
      %dma_start3A_35 = tpu.memref_slice %arg2[%add3A_32] : memref<25690112xf32, #tpu.memory_space<hbm>> -> memref<24576xf32, #tpu.memory_space<hbm>>
      %dma_start3A_36 = arith.constant 49152 : i32
      %dma_start3A_37 = tpu.memref_slice %arg7[%dma_start3A_36] : memref<100000xf32, #tpu.memory_space<vmem>> -> memref<24576xf32, #tpu.memory_space<vmem>>
      %dma_start3A_38 = tpu.memref_slice %arg2[%add3A_32] : memref<25690112xf32, #tpu.memory_space<hbm>> -> memref<24576xf32, #tpu.memory_space<hbm>>
      tpu.enqueue_dma source(%dma_start3A_38 : memref<24576xf32, #tpu.memory_space<hbm>>) target(%dma_start3A_37 : memref<24576xf32, #tpu.memory_space<vmem>>) target_semaphore(%arg14 : memref<!tpu.dma_semaphore, #tpu.memory_space<semaphore_mem>>)
      %mul3A_39 = arith.constant 100352 : i32
      %mul3A_40 = arith.muli %add3A_9, %mul3A_39 : i32
      %add3A_41 = arith.constant 73728 : i32
      %add3A_42 = arith.addi %mul3A_40, %add3A_41 : i32
      %dma_start3A_43 = arith.constant 73728 : i32
      %dma_start3A_44 = tpu.memref_slice %arg7[%dma_start3A_43] : memref<100000xf32, #tpu.memory_space<vmem>> -> memref<26272xf32, #tpu.memory_space<vmem>>
      %dma_start3A_45 = tpu.memref_slice %arg2[%add3A_42] : memref<25690112xf32, #tpu.memory_space<hbm>> -> memref<26272xf32, #tpu.memory_space<hbm>>
      %dma_start3A_46 = arith.constant 73728 : i32
      %dma_start3A_47 = tpu.memref_slice %arg7[%dma_start3A_46] : memref<100000xf32, #tpu.memory_space<vmem>> -> memref<26272xf32, #tpu.memory_space<vmem>>
      %dma_start3A_48 = tpu.memref_slice %arg2[%add3A_42] : memref<25690112xf32, #tpu.memory_space<hbm>> -> memref<26272xf32, #tpu.memory_space<hbm>>
      tpu.enqueue_dma source(%dma_start3A_48 : memref<26272xf32, #tpu.memory_space<hbm>>) target(%dma_start3A_47 : memref<26272xf32, #tpu.memory_space<vmem>>) target_semaphore(%arg15 : memref<!tpu.dma_semaphore, #tpu.memory_space<semaphore_mem>>)
      "tpu.region"() ({
        %run_scoped3A = tpu.sem_alloc : memref<!tpu.dma_semaphore, #tpu.memory_space<semaphore_mem>>
        %dma_start3A_105 = arith.constant 0 : i32
        %dma_start3A_106 = tpu.memref_slice %arg4[%add3A_9, %dma_start3A_105] : memref<256x800xi32, #tpu.memory_space<hbm>> -> memref<1x800xi32, #tpu.memory_space<hbm>>
        %dma_start3A_107 = tpu.memref_squeeze %dma_start3A_106 : memref<1x800xi32, #tpu.memory_space<hbm>> -> memref<800xi32, #tpu.memory_space<hbm>>
        %dma_start3A_108 = arith.constant 0 : i32
        %dma_start3A_109 = tpu.memref_slice %arg4[%add3A_9, %dma_start3A_108] : memref<256x800xi32, #tpu.memory_space<hbm>> -> memref<1x800xi32, #tpu.memory_space<hbm>>
        %dma_start3A_110 = tpu.memref_squeeze %dma_start3A_109 : memref<1x800xi32, #tpu.memory_space<hbm>> -> memref<800xi32, #tpu.memory_space<hbm>>
        tpu.enqueue_dma source(%dma_start3A_110 : memref<800xi32, #tpu.memory_space<hbm>>) target(%arg8 : memref<800xi32, #tpu.memory_space<vmem>>) target_semaphore(%run_scoped3A : memref<!tpu.dma_semaphore, #tpu.memory_space<semaphore_mem>>)
        %dma_wait3A_111 = arith.constant 0 : i32
        %dma_wait3A_112 = tpu.memref_slice %arg4[%add3A_9, %dma_wait3A_111] : memref<256x800xi32, #tpu.memory_space<hbm>> -> memref<1x800xi32, #tpu.memory_space<hbm>>
        %dma_wait3A_113 = tpu.memref_squeeze %dma_wait3A_112 : memref<1x800xi32, #tpu.memory_space<hbm>> -> memref<800xi32, #tpu.memory_space<hbm>>
        %dma_wait3A_114 = arith.constant 0 : i32
        %dma_wait3A_115 = tpu.memref_slice %arg4[%add3A_9, %dma_wait3A_114] : memref<256x800xi32, #tpu.memory_space<hbm>> -> memref<1x800xi32, #tpu.memory_space<hbm>>
        %dma_wait3A_116 = tpu.memref_squeeze %dma_wait3A_115 : memref<1x800xi32, #tpu.memory_space<hbm>> -> memref<800xi32, #tpu.memory_space<hbm>>
        tpu.wait_dma2 semaphore(%run_scoped3A : memref<!tpu.dma_semaphore, #tpu.memory_space<semaphore_mem>>) src(%dma_wait3A_116 : memref<800xi32, #tpu.memory_space<hbm>>) dst(%arg8 : memref<800xi32, #tpu.memory_space<vmem>>)
        tpu.yield
      }) : () -> ()
      "tpu.region"() ({
        %run_scoped3A = tpu.sem_alloc : memref<!tpu.dma_semaphore, #tpu.memory_space<semaphore_mem>>
        %dma_start3A_105 = arith.constant 0 : i32
        %dma_start3A_106 = tpu.memref_slice %arg5[%add3A_9, %dma_start3A_105] : memref<256x800xf32, #tpu.memory_space<hbm>> -> memref<1x800xf32, #tpu.memory_space<hbm>>
        %dma_start3A_107 = tpu.memref_squeeze %dma_start3A_106 : memref<1x800xf32, #tpu.memory_space<hbm>> -> memref<800xf32, #tpu.memory_space<hbm>>
        %dma_start3A_108 = arith.constant 0 : i32
        %dma_start3A_109 = tpu.memref_slice %arg5[%add3A_9, %dma_start3A_108] : memref<256x800xf32, #tpu.memory_space<hbm>> -> memref<1x800xf32, #tpu.memory_space<hbm>>
        %dma_start3A_110 = tpu.memref_squeeze %dma_start3A_109 : memref<1x800xf32, #tpu.memory_space<hbm>> -> memref<800xf32, #tpu.memory_space<hbm>>
        tpu.enqueue_dma source(%dma_start3A_110 : memref<800xf32, #tpu.memory_space<hbm>>) target(%arg9 : memref<800xf32, #tpu.memory_space<vmem>>) target_semaphore(%run_scoped3A : memref<!tpu.dma_semaphore, #tpu.memory_space<semaphore_mem>>)
        %dma_wait3A_111 = arith.constant 0 : i32
        %dma_wait3A_112 = tpu.memref_slice %arg5[%add3A_9, %dma_wait3A_111] : memref<256x800xf32, #tpu.memory_space<hbm>> -> memref<1x800xf32, #tpu.memory_space<hbm>>
        %dma_wait3A_113 = tpu.memref_squeeze %dma_wait3A_112 : memref<1x800xf32, #tpu.memory_space<hbm>> -> memref<800xf32, #tpu.memory_space<hbm>>
        %dma_wait3A_114 = arith.constant 0 : i32
        %dma_wait3A_115 = tpu.memref_slice %arg5[%add3A_9, %dma_wait3A_114] : memref<256x800xf32, #tpu.memory_space<hbm>> -> memref<1x800xf32, #tpu.memory_space<hbm>>
        %dma_wait3A_116 = tpu.memref_squeeze %dma_wait3A_115 : memref<1x800xf32, #tpu.memory_space<hbm>> -> memref<800xf32, #tpu.memory_space<hbm>>
        tpu.wait_dma2 semaphore(%run_scoped3A : memref<!tpu.dma_semaphore, #tpu.memory_space<semaphore_mem>>) src(%dma_wait3A_116 : memref<800xf32, #tpu.memory_space<hbm>>) dst(%arg9 : memref<800xf32, #tpu.memory_space<vmem>>)
        tpu.yield
      }) : () -> ()
      "tpu.region"() ({
        %run_scoped3A = tpu.sem_alloc : memref<!tpu.dma_semaphore, #tpu.memory_space<semaphore_mem>>
        %dma_start3A_105 = arith.constant 0 : i32
        %dma_start3A_106 = tpu.memref_slice %arg3[%add3A_9, %dma_start3A_105] : memref<256x784xf32, #tpu.memory_space<hbm>> -> memref<1x784xf32, #tpu.memory_space<hbm>>
        %dma_start3A_107 = tpu.memref_squeeze %dma_start3A_106 : memref<1x784xf32, #tpu.memory_space<hbm>> -> memref<784xf32, #tpu.memory_space<hbm>>
        %dma_start3A_108 = arith.constant 0 : i32
        %dma_start3A_109 = tpu.memref_slice %arg3[%add3A_9, %dma_start3A_108] : memref<256x784xf32, #tpu.memory_space<hbm>> -> memref<1x784xf32, #tpu.memory_space<hbm>>
        %dma_start3A_110 = tpu.memref_squeeze %dma_start3A_109 : memref<1x784xf32, #tpu.memory_space<hbm>> -> memref<784xf32, #tpu.memory_space<hbm>>
        tpu.enqueue_dma source(%dma_start3A_110 : memref<784xf32, #tpu.memory_space<hbm>>) target(%arg10 : memref<784xf32, #tpu.memory_space<vmem>>) target_semaphore(%run_scoped3A : memref<!tpu.dma_semaphore, #tpu.memory_space<semaphore_mem>>)
        %dma_wait3A_111 = arith.constant 0 : i32
        %dma_wait3A_112 = tpu.memref_slice %arg3[%add3A_9, %dma_wait3A_111] : memref<256x784xf32, #tpu.memory_space<hbm>> -> memref<1x784xf32, #tpu.memory_space<hbm>>
        %dma_wait3A_113 = tpu.memref_squeeze %dma_wait3A_112 : memref<1x784xf32, #tpu.memory_space<hbm>> -> memref<784xf32, #tpu.memory_space<hbm>>
        %dma_wait3A_114 = arith.constant 0 : i32
        %dma_wait3A_115 = tpu.memref_slice %arg3[%add3A_9, %dma_wait3A_114] : memref<256x784xf32, #tpu.memory_space<hbm>> -> memref<1x784xf32, #tpu.memory_space<hbm>>
        %dma_wait3A_116 = tpu.memref_squeeze %dma_wait3A_115 : memref<1x784xf32, #tpu.memory_space<hbm>> -> memref<784xf32, #tpu.memory_space<hbm>>
        tpu.wait_dma2 semaphore(%run_scoped3A : memref<!tpu.dma_semaphore, #tpu.memory_space<semaphore_mem>>) src(%dma_wait3A_116 : memref<784xf32, #tpu.memory_space<hbm>>) dst(%arg10 : memref<784xf32, #tpu.memory_space<vmem>>)
        tpu.yield
      }) : () -> ()
      %dma_wait3A = arith.constant 0 : i32
      %dma_wait3A_49 = tpu.memref_slice %arg7[%dma_wait3A] : memref<100000xf32, #tpu.memory_space<vmem>> -> memref<24576xf32, #tpu.memory_space<vmem>>
      %dma_wait3A_50 = tpu.memref_slice %arg2[%add3A_13] : memref<25690112xf32, #tpu.memory_space<hbm>> -> memref<24576xf32, #tpu.memory_space<hbm>>
      %dma_wait3A_51 = arith.constant 0 : i32
      %dma_wait3A_52 = tpu.memref_slice %arg7[%dma_wait3A_51] : memref<100000xf32, #tpu.memory_space<vmem>> -> memref<24576xf32, #tpu.memory_space<vmem>>
      %dma_wait3A_53 = tpu.memref_slice %arg2[%add3A_13] : memref<25690112xf32, #tpu.memory_space<hbm>> -> memref<24576xf32, #tpu.memory_space<hbm>>
      tpu.wait_dma2 semaphore(%arg12 : memref<!tpu.dma_semaphore, #tpu.memory_space<semaphore_mem>>) src(%dma_wait3A_53 : memref<24576xf32, #tpu.memory_space<hbm>>) dst(%dma_wait3A_52 : memref<24576xf32, #tpu.memory_space<vmem>>)
      %scan3A_54 = arith.constant 0 : i32
      %scan3A_55 = arith.constant 0 : i32
      %scan3A_56 = arith.constant 12 : i32
      %scan3A_57 = arith.addi %scan3A_55, %scan3A_56 : i32
      %scan3A_58 = arith.constant 1 : i32
      scf.for %scan3A_105 = %scan3A_55 to %scan3A_57 step %scan3A_58  : i32 {
        %mul3A_106 = arith.constant 16 : i32
        %mul3A_107 = arith.muli %scan3A_105, %mul3A_106 : i32
        %get3A_108 = arith.index_cast %mul3A_107 : i32 to index
        %get3A_109 = tpu.vector_load %arg10[%get3A_108] {strides = array<i32>} : memref<784xf32, #tpu.memory_space<vmem>>, vector<16xf32>,
        %mul3A_110 = arith.constant 2048 : i32
        %mul3A_111 = arith.muli %scan3A_105, %mul3A_110 : i32
        %parallel_loop3A_112 = arith.constant 0 : i32
        %parallel_loop3A_113 = arith.constant 128 : i32
        %parallel_loop3A_114 = arith.constant 1 : i32
        scf.for %parallel_loop3A_115 = %parallel_loop3A_112 to %parallel_loop3A_113 step %parallel_loop3A_114  : i32 {
          %parallel_loop3A_116 = arith.constant 16 : i32
          %parallel_loop3A_117 = arith.muli %parallel_loop3A_115, %parallel_loop3A_116 : i32
          %parallel_loop3A_118 = arith.addi %mul3A_111, %parallel_loop3A_117 : i32
          %parallel_loop3A_119 = arith.index_cast %parallel_loop3A_118 : i32 to index
          %parallel_loop3A_120 = tpu.vector_load %arg7[%parallel_loop3A_119] {strides = array<i32>} : memref<100000xf32, #tpu.memory_space<vmem>>, vector<16xf32>,
          %parallel_loop3A_121 = arith.mulf %parallel_loop3A_120, %get3A_109 : vector<16xf32>
          %parallel_loop3A_122 = arith.index_cast %parallel_loop3A_118 : i32 to index
          %parallel_loop3A_123 = tpu.vector_load %arg7[%parallel_loop3A_122] {strides = array<i32>} : memref<100000xf32, #tpu.memory_space<vmem>>, vector<16xf32>,
          tpu.vector_store %arg7[%parallel_loop3A_122], %parallel_loop3A_121 {strides = array<i32>} : memref<100000xf32, #tpu.memory_space<vmem>>, vector<16xf32>,
        } {sc.loop_unroll_factor = 8 : i64, sc.parallel_access}
      }
      %scan3A_59 = arith.constant 12 : i32
      %dma_wait3A_60 = arith.constant 24576 : i32
      %dma_wait3A_61 = tpu.memref_slice %arg7[%dma_wait3A_60] : memref<100000xf32, #tpu.memory_space<vmem>> -> memref<24576xf32, #tpu.memory_space<vmem>>
      %dma_wait3A_62 = tpu.memref_slice %arg2[%add3A_22] : memref<25690112xf32, #tpu.memory_space<hbm>> -> memref<24576xf32, #tpu.memory_space<hbm>>
      %dma_wait3A_63 = arith.constant 24576 : i32
      %dma_wait3A_64 = tpu.memref_slice %arg7[%dma_wait3A_63] : memref<100000xf32, #tpu.memory_space<vmem>> -> memref<24576xf32, #tpu.memory_space<vmem>>
      %dma_wait3A_65 = tpu.memref_slice %arg2[%add3A_22] : memref<25690112xf32, #tpu.memory_space<hbm>> -> memref<24576xf32, #tpu.memory_space<hbm>>
      tpu.wait_dma2 semaphore(%arg13 : memref<!tpu.dma_semaphore, #tpu.memory_space<semaphore_mem>>) src(%dma_wait3A_65 : memref<24576xf32, #tpu.memory_space<hbm>>) dst(%dma_wait3A_64 : memref<24576xf32, #tpu.memory_space<vmem>>)
      %scan3A_66 = arith.constant 0 : i32
      %scan3A_67 = arith.constant 12 : i32
      %scan3A_68 = arith.constant 12 : i32
      %scan3A_69 = arith.addi %scan3A_67, %scan3A_68 : i32
      %scan3A_70 = arith.constant 1 : i32
      scf.for %scan3A_105 = %scan3A_67 to %scan3A_69 step %scan3A_70  : i32 {
        %mul3A_106 = arith.constant 16 : i32
        %mul3A_107 = arith.muli %scan3A_105, %mul3A_106 : i32
        %get3A_108 = arith.index_cast %mul3A_107 : i32 to index
        %get3A_109 = tpu.vector_load %arg10[%get3A_108] {strides = array<i32>} : memref<784xf32, #tpu.memory_space<vmem>>, vector<16xf32>,
        %mul3A_110 = arith.constant 2048 : i32
        %mul3A_111 = arith.muli %scan3A_105, %mul3A_110 : i32
        %parallel_loop3A_112 = arith.constant 0 : i32
        %parallel_loop3A_113 = arith.constant 128 : i32
        %parallel_loop3A_114 = arith.constant 1 : i32
        scf.for %parallel_loop3A_115 = %parallel_loop3A_112 to %parallel_loop3A_113 step %parallel_loop3A_114  : i32 {
          %parallel_loop3A_116 = arith.constant 16 : i32
          %parallel_loop3A_117 = arith.muli %parallel_loop3A_115, %parallel_loop3A_116 : i32
          %parallel_loop3A_118 = arith.addi %mul3A_111, %parallel_loop3A_117 : i32
          %parallel_loop3A_119 = arith.index_cast %parallel_loop3A_118 : i32 to index
          %parallel_loop3A_120 = tpu.vector_load %arg7[%parallel_loop3A_119] {strides = array<i32>} : memref<100000xf32, #tpu.memory_space<vmem>>, vector<16xf32>,
          %parallel_loop3A_121 = arith.mulf %parallel_loop3A_120, %get3A_109 : vector<16xf32>
          %parallel_loop3A_122 = arith.index_cast %parallel_loop3A_118 : i32 to index
          %parallel_loop3A_123 = tpu.vector_load %arg7[%parallel_loop3A_122] {strides = array<i32>} : memref<100000xf32, #tpu.memory_space<vmem>>, vector<16xf32>,
          tpu.vector_store %arg7[%parallel_loop3A_122], %parallel_loop3A_121 {strides = array<i32>} : memref<100000xf32, #tpu.memory_space<vmem>>, vector<16xf32>,
        } {sc.loop_unroll_factor = 8 : i64, sc.parallel_access}
      }
      %scan3A_71 = arith.constant 12 : i32
      %dma_wait3A_72 = arith.constant 49152 : i32
      %dma_wait3A_73 = tpu.memref_slice %arg7[%dma_wait3A_72] : memref<100000xf32, #tpu.memory_space<vmem>> -> memref<24576xf32, #tpu.memory_space<vmem>>
      %dma_wait3A_74 = tpu.memref_slice %arg2[%add3A_32] : memref<25690112xf32, #tpu.memory_space<hbm>> -> memref<24576xf32, #tpu.memory_space<hbm>>
      %dma_wait3A_75 = arith.constant 49152 : i32
      %dma_wait3A_76 = tpu.memref_slice %arg7[%dma_wait3A_75] : memref<100000xf32, #tpu.memory_space<vmem>> -> memref<24576xf32, #tpu.memory_space<vmem>>
      %dma_wait3A_77 = tpu.memref_slice %arg2[%add3A_32] : memref<25690112xf32, #tpu.memory_space<hbm>> -> memref<24576xf32, #tpu.memory_space<hbm>>
      tpu.wait_dma2 semaphore(%arg14 : memref<!tpu.dma_semaphore, #tpu.memory_space<semaphore_mem>>) src(%dma_wait3A_77 : memref<24576xf32, #tpu.memory_space<hbm>>) dst(%dma_wait3A_76 : memref<24576xf32, #tpu.memory_space<vmem>>)
      %scan3A_78 = arith.constant 0 : i32
      %scan3A_79 = arith.constant 24 : i32
      %scan3A_80 = arith.constant 12 : i32
      %scan3A_81 = arith.addi %scan3A_79, %scan3A_80 : i32
      %scan3A_82 = arith.constant 1 : i32
      scf.for %scan3A_105 = %scan3A_79 to %scan3A_81 step %scan3A_82  : i32 {
        %mul3A_106 = arith.constant 16 : i32
        %mul3A_107 = arith.muli %scan3A_105, %mul3A_106 : i32
        %get3A_108 = arith.index_cast %mul3A_107 : i32 to index
        %get3A_109 = tpu.vector_load %arg10[%get3A_108] {strides = array<i32>} : memref<784xf32, #tpu.memory_space<vmem>>, vector<16xf32>,
        %mul3A_110 = arith.constant 2048 : i32
        %mul3A_111 = arith.muli %scan3A_105, %mul3A_110 : i32
        %parallel_loop3A_112 = arith.constant 0 : i32
        %parallel_loop3A_113 = arith.constant 128 : i32
        %parallel_loop3A_114 = arith.constant 1 : i32
        scf.for %parallel_loop3A_115 = %parallel_loop3A_112 to %parallel_loop3A_113 step %parallel_loop3A_114  : i32 {
          %parallel_loop3A_116 = arith.constant 16 : i32
          %parallel_loop3A_117 = arith.muli %parallel_loop3A_115, %parallel_loop3A_116 : i32
          %parallel_loop3A_118 = arith.addi %mul3A_111, %parallel_loop3A_117 : i32
          %parallel_loop3A_119 = arith.index_cast %parallel_loop3A_118 : i32 to index
          %parallel_loop3A_120 = tpu.vector_load %arg7[%parallel_loop3A_119] {strides = array<i32>} : memref<100000xf32, #tpu.memory_space<vmem>>, vector<16xf32>,
          %parallel_loop3A_121 = arith.mulf %parallel_loop3A_120, %get3A_109 : vector<16xf32>
          %parallel_loop3A_122 = arith.index_cast %parallel_loop3A_118 : i32 to index
          %parallel_loop3A_123 = tpu.vector_load %arg7[%parallel_loop3A_122] {strides = array<i32>} : memref<100000xf32, #tpu.memory_space<vmem>>, vector<16xf32>,
          tpu.vector_store %arg7[%parallel_loop3A_122], %parallel_loop3A_121 {strides = array<i32>} : memref<100000xf32, #tpu.memory_space<vmem>>, vector<16xf32>,
        } {sc.loop_unroll_factor = 8 : i64, sc.parallel_access}
      }
      %scan3A_83 = arith.constant 12 : i32
      %dma_wait3A_84 = arith.constant 73728 : i32
      %dma_wait3A_85 = tpu.memref_slice %arg7[%dma_wait3A_84] : memref<100000xf32, #tpu.memory_space<vmem>> -> memref<26272xf32, #tpu.memory_space<vmem>>
      %dma_wait3A_86 = tpu.memref_slice %arg2[%add3A_42] : memref<25690112xf32, #tpu.memory_space<hbm>> -> memref<26272xf32, #tpu.memory_space<hbm>>
      %dma_wait3A_87 = arith.constant 73728 : i32
      %dma_wait3A_88 = tpu.memref_slice %arg7[%dma_wait3A_87] : memref<100000xf32, #tpu.memory_space<vmem>> -> memref<26272xf32, #tpu.memory_space<vmem>>
      %dma_wait3A_89 = tpu.memref_slice %arg2[%add3A_42] : memref<25690112xf32, #tpu.memory_space<hbm>> -> memref<26272xf32, #tpu.memory_space<hbm>>
      tpu.wait_dma2 semaphore(%arg15 : memref<!tpu.dma_semaphore, #tpu.memory_space<semaphore_mem>>) src(%dma_wait3A_89 : memref<26272xf32, #tpu.memory_space<hbm>>) dst(%dma_wait3A_88 : memref<26272xf32, #tpu.memory_space<vmem>>)
      %scan3A_90 = arith.constant 0 : i32
      %scan3A_91 = arith.constant 36 : i32
      %scan3A_92 = arith.constant 12 : i32
      %scan3A_93 = arith.addi %scan3A_91, %scan3A_92 : i32
      %scan3A_94 = arith.constant 1 : i32
      scf.for %scan3A_105 = %scan3A_91 to %scan3A_93 step %scan3A_94  : i32 {
        %mul3A_106 = arith.constant 16 : i32
        %mul3A_107 = arith.muli %scan3A_105, %mul3A_106 : i32
        %get3A_108 = arith.index_cast %mul3A_107 : i32 to index
        %get3A_109 = tpu.vector_load %arg10[%get3A_108] {strides = array<i32>} : memref<784xf32, #tpu.memory_space<vmem>>, vector<16xf32>,
        %mul3A_110 = arith.constant 2048 : i32
        %mul3A_111 = arith.muli %scan3A_105, %mul3A_110 : i32
        %parallel_loop3A_112 = arith.constant 0 : i32
        %parallel_loop3A_113 = arith.constant 128 : i32
        %parallel_loop3A_114 = arith.constant 1 : i32
        scf.for %parallel_loop3A_115 = %parallel_loop3A_112 to %parallel_loop3A_113 step %parallel_loop3A_114  : i32 {
          %parallel_loop3A_116 = arith.constant 16 : i32
          %parallel_loop3A_117 = arith.muli %parallel_loop3A_115, %parallel_loop3A_116 : i32
          %parallel_loop3A_118 = arith.addi %mul3A_111, %parallel_loop3A_117 : i32
          %parallel_loop3A_119 = arith.index_cast %parallel_loop3A_118 : i32 to index
          %parallel_loop3A_120 = tpu.vector_load %arg7[%parallel_loop3A_119] {strides = array<i32>} : memref<100000xf32, #tpu.memory_space<vmem>>, vector<16xf32>,
          %parallel_loop3A_121 = arith.mulf %parallel_loop3A_120, %get3A_109 : vector<16xf32>
          %parallel_loop3A_122 = arith.index_cast %parallel_loop3A_118 : i32 to index
          %parallel_loop3A_123 = tpu.vector_load %arg7[%parallel_loop3A_122] {strides = array<i32>} : memref<100000xf32, #tpu.memory_space<vmem>>, vector<16xf32>,
          tpu.vector_store %arg7[%parallel_loop3A_122], %parallel_loop3A_121 {strides = array<i32>} : memref<100000xf32, #tpu.memory_space<vmem>>, vector<16xf32>,
        } {sc.loop_unroll_factor = 8 : i64, sc.parallel_access}
      }
      %scan3A_95 = arith.constant 12 : i32
      %get3A = arith.constant 768 : index
      %get3A_96 = tpu.vector_load %arg10[%get3A] {strides = array<i32>} : memref<784xf32, #tpu.memory_space<vmem>>, vector<16xf32>,
      %parallel_loop3A = arith.constant 0 : i32
      %parallel_loop3A_97 = arith.constant 106 : i32
      %parallel_loop3A_98 = arith.constant 1 : i32
      scf.for %parallel_loop3A_105 = %parallel_loop3A to %parallel_loop3A_97 step %parallel_loop3A_98  : i32 {
        %parallel_loop3A_106 = arith.constant 16 : i32
        %parallel_loop3A_107 = arith.muli %parallel_loop3A_105, %parallel_loop3A_106 : i32
        %parallel_loop3A_108 = arith.constant 98304 : i32
        %parallel_loop3A_109 = arith.addi %parallel_loop3A_108, %parallel_loop3A_107 : i32
        %parallel_loop3A_110 = arith.index_cast %parallel_loop3A_109 : i32 to index
        %parallel_loop3A_111 = tpu.vector_load %arg7[%parallel_loop3A_110] {strides = array<i32>} : memref<100000xf32, #tpu.memory_space<vmem>>, vector<16xf32>,
        %parallel_loop3A_112 = arith.mulf %parallel_loop3A_111, %get3A_96 : vector<16xf32>
        %parallel_loop3A_113 = arith.index_cast %parallel_loop3A_109 : i32 to index
        %parallel_loop3A_114 = tpu.vector_load %arg7[%parallel_loop3A_113] {strides = array<i32>} : memref<100000xf32, #tpu.memory_space<vmem>>, vector<16xf32>,
        tpu.vector_store %arg7[%parallel_loop3A_113], %parallel_loop3A_112 {strides = array<i32>} : memref<100000xf32, #tpu.memory_space<vmem>>, vector<16xf32>,
      } {sc.loop_unroll_factor = 8 : i64, sc.parallel_access}
      %scan3A_99 = arith.constant 0 : i32
      %scan3A_100 = arith.constant 0 : i32
      %scan3A_101 = arith.constant 50 : i32
      %scan3A_102 = arith.addi %scan3A_100, %scan3A_101 : i32
      %scan3A_103 = arith.constant 1 : i32
      scf.for %scan3A_105 = %scan3A_100 to %scan3A_102 step %scan3A_103  : i32 {
        %mul3A_106 = arith.constant 16 : i32
        %mul3A_107 = arith.muli %scan3A_105, %mul3A_106 : i32
        %get3A_108 = arith.index_cast %mul3A_107 : i32 to index
        %get3A_109 = tpu.vector_load %arg8[%get3A_108] {strides = array<i32>} : memref<800xi32, #tpu.memory_space<vmem>>, vector<16xi32>,
        %mul3A_110 = arith.constant 16 : i32
        %mul3A_111 = arith.muli %scan3A_105, %mul3A_110 : i32
        %get3A_112 = arith.index_cast %mul3A_111 : i32 to index
        %get3A_113 = tpu.vector_load %arg9[%get3A_112] {strides = array<i32>} : memref<800xf32, #tpu.memory_space<vmem>>, vector<16xf32>,
        %and3A = arith.constant 1023 : i32
        %and3A_114 = vector.broadcast %and3A : i32 to vector<16xi32>
        %and3A_115 = arith.andi %get3A_109, %and3A_114 : vector<16xi32>
        tpu.vector_store_idx %arg11[%and3A_115], %iota3A : memref<1024xi32, #tpu.memory_space<vmem>>[vector<16xi32>], vector<16xi32>,
        %gather3A = tpu.vector_load_idx %arg11[%and3A_115] : memref<1024xi32, #tpu.memory_space<vmem>>[vector<16xi32>], vector<16xi32>,
        %eq3A = arith.cmpi eq, %gather3A, %iota3A : vector<16xi32>
        %all_reduce_population_count3A = tpu.all_reduce %eq3A {dim = 0 : i64, kind = #tpu.reduction_kind<sum>} : vector<16xi1> -> vector<16xi32>
        %reduce_max3A = arith.constant true
        %reduce_max3A_116 = vector.broadcast %reduce_max3A : i1 to vector<16xi1>
        %reduce_max3A_117 = arith.constant -2147483648 : i32
        %reduce_max3A_118 = vector.broadcast %reduce_max3A_117 : i32 to vector<16xi32>
        %reduce_max3A_119 = arith.xori %all_reduce_population_count3A, %reduce_max3A_118 : vector<16xi32>
        %reduce_max3A_120 = tpu.scan <max>, %reduce_max3A_119 masked %reduce_max3A_116 : vector<16xi32>, vector<16xi1> -> vector<16xi32>
        %reduce_max3A_121 = arith.xori %reduce_max3A_120, %reduce_max3A_118 : vector<16xi32>
        %reduce_max3A_122 = vector.extract %reduce_max3A_121[15] : i32 from vector<16xi32>
        %eq3A_123 = arith.constant 16 : i32
        %eq3A_124 = arith.cmpi eq, %reduce_max3A_122, %eq3A_123 : i32
        %convert_element_type3A = arith.extui %eq3A_124 : i1 to i32
        %cond3A = arith.constant 0 : i32
        %cond3A_125 = arith.cmpi ne, %convert_element_type3A, %cond3A : i32
        scf.if %cond3A_125 {
          tpu.vector_store_idx %arg7[%get3A_109], %get3A_113 {add = true} : memref<100000xf32, #tpu.memory_space<vmem>>[vector<16xi32>], vector<16xf32>,
        } else {
        }
        %not3A = arith.constant true
        %not3A_126 = arith.xori %eq3A_124, %not3A : i1
        %convert_element_type3A_127 = arith.extui %not3A_126 : i1 to i32
        %cond3A_128 = arith.constant 0 : i32
        %cond3A_129 = arith.cmpi ne, %convert_element_type3A_127, %cond3A_128 : i32
        scf.if %cond3A_129 {
          %eq3A_130 = arith.constant 0 : i32
          %eq3A_131 = vector.broadcast %eq3A_130 : i32 to vector<16xi32>
          %eq3A_132 = arith.cmpi eq, %iota3A, %eq3A_131 : vector<16xi32>
          tpu.vector_store_idx %arg7[%get3A_109], %get3A_113 masked %eq3A_132 {add = true} : memref<100000xf32, #tpu.memory_space<vmem>>[vector<16xi32>], vector<16xf32>, vector<16xi1>
          %eq3A_133 = arith.constant 1 : i32
          %eq3A_134 = vector.broadcast %eq3A_133 : i32 to vector<16xi32>
          %eq3A_135 = arith.cmpi eq, %iota3A, %eq3A_134 : vector<16xi32>
          tpu.vector_store_idx %arg7[%get3A_109], %get3A_113 masked %eq3A_135 {add = true} : memref<100000xf32, #tpu.memory_space<vmem>>[vector<16xi32>], vector<16xf32>, vector<16xi1>
          %eq3A_136 = arith.constant 2 : i32
          %eq3A_137 = vector.broadcast %eq3A_136 : i32 to vector<16xi32>
          %eq3A_138 = arith.cmpi eq, %iota3A, %eq3A_137 : vector<16xi32>
          tpu.vector_store_idx %arg7[%get3A_109], %get3A_113 masked %eq3A_138 {add = true} : memref<100000xf32, #tpu.memory_space<vmem>>[vector<16xi32>], vector<16xf32>, vector<16xi1>
          %eq3A_139 = arith.constant 3 : i32
          %eq3A_140 = vector.broadcast %eq3A_139 : i32 to vector<16xi32>
          %eq3A_141 = arith.cmpi eq, %iota3A, %eq3A_140 : vector<16xi32>
          tpu.vector_store_idx %arg7[%get3A_109], %get3A_113 masked %eq3A_141 {add = true} : memref<100000xf32, #tpu.memory_space<vmem>>[vector<16xi32>], vector<16xf32>, vector<16xi1>
          %eq3A_142 = arith.constant 4 : i32
          %eq3A_143 = vector.broadcast %eq3A_142 : i32 to vector<16xi32>
          %eq3A_144 = arith.cmpi eq, %iota3A, %eq3A_143 : vector<16xi32>
          tpu.vector_store_idx %arg7[%get3A_109], %get3A_113 masked %eq3A_144 {add = true} : memref<100000xf32, #tpu.memory_space<vmem>>[vector<16xi32>], vector<16xf32>, vector<16xi1>
          %eq3A_145 = arith.constant 5 : i32
          %eq3A_146 = vector.broadcast %eq3A_145 : i32 to vector<16xi32>
          %eq3A_147 = arith.cmpi eq, %iota3A, %eq3A_146 : vector<16xi32>
          tpu.vector_store_idx %arg7[%get3A_109], %get3A_113 masked %eq3A_147 {add = true} : memref<100000xf32, #tpu.memory_space<vmem>>[vector<16xi32>], vector<16xf32>, vector<16xi1>
          %eq3A_148 = arith.constant 6 : i32
          %eq3A_149 = vector.broadcast %eq3A_148 : i32 to vector<16xi32>
          %eq3A_150 = arith.cmpi eq, %iota3A, %eq3A_149 : vector<16xi32>
          tpu.vector_store_idx %arg7[%get3A_109], %get3A_113 masked %eq3A_150 {add = true} : memref<100000xf32, #tpu.memory_space<vmem>>[vector<16xi32>], vector<16xf32>, vector<16xi1>
          %eq3A_151 = arith.constant 7 : i32
          %eq3A_152 = vector.broadcast %eq3A_151 : i32 to vector<16xi32>
          %eq3A_153 = arith.cmpi eq, %iota3A, %eq3A_152 : vector<16xi32>
          tpu.vector_store_idx %arg7[%get3A_109], %get3A_113 masked %eq3A_153 {add = true} : memref<100000xf32, #tpu.memory_space<vmem>>[vector<16xi32>], vector<16xf32>, vector<16xi1>
          %eq3A_154 = arith.constant 8 : i32
          %eq3A_155 = vector.broadcast %eq3A_154 : i32 to vector<16xi32>
          %eq3A_156 = arith.cmpi eq, %iota3A, %eq3A_155 : vector<16xi32>
          tpu.vector_store_idx %arg7[%get3A_109], %get3A_113 masked %eq3A_156 {add = true} : memref<100000xf32, #tpu.memory_space<vmem>>[vector<16xi32>], vector<16xf32>, vector<16xi1>
          %eq3A_157 = arith.constant 9 : i32
          %eq3A_158 = vector.broadcast %eq3A_157 : i32 to vector<16xi32>
          %eq3A_159 = arith.cmpi eq, %iota3A, %eq3A_158 : vector<16xi32>
          tpu.vector_store_idx %arg7[%get3A_109], %get3A_113 masked %eq3A_159 {add = true} : memref<100000xf32, #tpu.memory_space<vmem>>[vector<16xi32>], vector<16xf32>, vector<16xi1>
          %eq3A_160 = arith.constant 10 : i32
          %eq3A_161 = vector.broadcast %eq3A_160 : i32 to vector<16xi32>
          %eq3A_162 = arith.cmpi eq, %iota3A, %eq3A_161 : vector<16xi32>
          tpu.vector_store_idx %arg7[%get3A_109], %get3A_113 masked %eq3A_162 {add = true} : memref<100000xf32, #tpu.memory_space<vmem>>[vector<16xi32>], vector<16xf32>, vector<16xi1>
          %eq3A_163 = arith.constant 11 : i32
          %eq3A_164 = vector.broadcast %eq3A_163 : i32 to vector<16xi32>
          %eq3A_165 = arith.cmpi eq, %iota3A, %eq3A_164 : vector<16xi32>
          tpu.vector_store_idx %arg7[%get3A_109], %get3A_113 masked %eq3A_165 {add = true} : memref<100000xf32, #tpu.memory_space<vmem>>[vector<16xi32>], vector<16xf32>, vector<16xi1>
          %eq3A_166 = arith.constant 12 : i32
          %eq3A_167 = vector.broadcast %eq3A_166 : i32 to vector<16xi32>
          %eq3A_168 = arith.cmpi eq, %iota3A, %eq3A_167 : vector<16xi32>
          tpu.vector_store_idx %arg7[%get3A_109], %get3A_113 masked %eq3A_168 {add = true} : memref<100000xf32, #tpu.memory_space<vmem>>[vector<16xi32>], vector<16xf32>, vector<16xi1>
          %eq3A_169 = arith.constant 13 : i32
          %eq3A_170 = vector.broadcast %eq3A_169 : i32 to vector<16xi32>
          %eq3A_171 = arith.cmpi eq, %iota3A, %eq3A_170 : vector<16xi32>
          tpu.vector_store_idx %arg7[%get3A_109], %get3A_113 masked %eq3A_171 {add = true} : memref<100000xf32, #tpu.memory_space<vmem>>[vector<16xi32>], vector<16xf32>, vector<16xi1>
          %eq3A_172 = arith.constant 14 : i32
          %eq3A_173 = vector.broadcast %eq3A_172 : i32 to vector<16xi32>
          %eq3A_174 = arith.cmpi eq, %iota3A, %eq3A_173 : vector<16xi32>
          tpu.vector_store_idx %arg7[%get3A_109], %get3A_113 masked %eq3A_174 {add = true} : memref<100000xf32, #tpu.memory_space<vmem>>[vector<16xi32>], vector<16xf32>, vector<16xi1>
          %eq3A_175 = arith.constant 15 : i32
          %eq3A_176 = vector.broadcast %eq3A_175 : i32 to vector<16xi32>
          %eq3A_177 = arith.cmpi eq, %iota3A, %eq3A_176 : vector<16xi32>
          tpu.vector_store_idx %arg7[%get3A_109], %get3A_113 masked %eq3A_177 {add = true} : memref<100000xf32, #tpu.memory_space<vmem>>[vector<16xi32>], vector<16xf32>, vector<16xi1>
        } else {
        }
      }
      %scan3A_104 = arith.constant 50 : i32
      "tpu.region"() ({
        %run_scoped3A = tpu.sem_alloc : memref<!tpu.dma_semaphore, #tpu.memory_space<semaphore_mem>>
        %dma_start3A_105 = arith.constant 0 : i32
        %dma_start3A_106 = tpu.memref_slice %arg6[%add3A_9, %dma_start3A_105] : memref<256x100000xf32, #tpu.memory_space<hbm>> -> memref<1x100000xf32, #tpu.memory_space<hbm>>
        %dma_start3A_107 = tpu.memref_squeeze %dma_start3A_106 : memref<1x100000xf32, #tpu.memory_space<hbm>> -> memref<100000xf32, #tpu.memory_space<hbm>>
        %dma_start3A_108 = arith.constant 0 : i32
        %dma_start3A_109 = tpu.memref_slice %arg6[%add3A_9, %dma_start3A_108] : memref<256x100000xf32, #tpu.memory_space<hbm>> -> memref<1x100000xf32, #tpu.memory_space<hbm>>
        %dma_start3A_110 = tpu.memref_squeeze %dma_start3A_109 : memref<1x100000xf32, #tpu.memory_space<hbm>> -> memref<100000xf32, #tpu.memory_space<hbm>>
        tpu.enqueue_dma source(%arg7 : memref<100000xf32, #tpu.memory_space<vmem>>) target(%dma_start3A_110 : memref<100000xf32, #tpu.memory_space<hbm>>) target_semaphore(%run_scoped3A : memref<!tpu.dma_semaphore, #tpu.memory_space<semaphore_mem>>)
        %dma_wait3A_111 = arith.constant 0 : i32
        %dma_wait3A_112 = tpu.memref_slice %arg6[%add3A_9, %dma_wait3A_111] : memref<256x100000xf32, #tpu.memory_space<hbm>> -> memref<1x100000xf32, #tpu.memory_space<hbm>>
        %dma_wait3A_113 = tpu.memref_squeeze %dma_wait3A_112 : memref<1x100000xf32, #tpu.memory_space<hbm>> -> memref<100000xf32, #tpu.memory_space<hbm>>
        %dma_wait3A_114 = arith.constant 0 : i32
        %dma_wait3A_115 = tpu.memref_slice %arg6[%add3A_9, %dma_wait3A_114] : memref<256x100000xf32, #tpu.memory_space<hbm>> -> memref<1x100000xf32, #tpu.memory_space<hbm>>
        %dma_wait3A_116 = tpu.memref_squeeze %dma_wait3A_115 : memref<1x100000xf32, #tpu.memory_space<hbm>> -> memref<100000xf32, #tpu.memory_space<hbm>>
        tpu.wait_dma2 semaphore(%run_scoped3A : memref<!tpu.dma_semaphore, #tpu.memory_space<semaphore_mem>>) src(%arg7 : memref<100000xf32, #tpu.memory_space<vmem>>) dst(%dma_wait3A_116 : memref<100000xf32, #tpu.memory_space<hbm>>)
        tpu.yield
      }) : () -> ()
    }
    %scan3A_5 = arith.constant 8 : i32
    return
  }
}

module attributes {stable_mosaic.version = 14 : i64} {
  func.func @body(%arg0: i32, %arg1: memref<256x256xf32, #tpu.memory_space<vmem>>, %arg2: memref<2048x256xf32, #tpu.memory_space<vmem>>, %arg3: memref<2048xf32, #tpu.memory_space<vmem>>, %arg4: memref<2048xf32, #tpu.memory_space<vmem>>, %arg5: memref<256x2048xf32, #tpu.memory_space<vmem>>, %arg6: memref<1x2x256xf32, #tpu.memory_space<vmem>>) attributes {dimension_semantics = [#tpu.dimension_semantics<arbitrary>], iteration_bounds = array<i64: 49>, scalar_prefetch = 0 : i64, scratch_operands = 0 : i64, tpu.core_type = #tpu.core_type<tc>, window_params = [{pipeline_mode = #tpu.pipeline_mode<synchronous>, transform_indices = @transform_0, window_bounds = array<i64: 256, 256>}, {transform_indices = @transform_1, window_bounds = array<i64: 2048, 256>}, {transform_indices = @transform_2, window_bounds = array<i64: 2048>}, {transform_indices = @transform_3, window_bounds = array<i64: 2048>}, {transform_indices = @transform_4, window_bounds = array<i64: 256, 2048>}, {transform_indices = @transform_5, window_bounds = array<i64: 1, 2, 256>}]} {
    %get3A = arith.constant 0 : index
    %get3A_0 = arith.constant 0 : index
    %get3A_1 = vector.load %arg1[%get3A, %get3A_0] : memref<256x256xf32, #tpu.memory_space<vmem>>, vector<256x256xf32>
    %convert_element_type3A = arith.truncf %get3A_1 : vector<256x256xf32> to vector<256x256xbf16>
    %get3A_2 = arith.constant 0 : index
    %get3A_3 = arith.constant 0 : index
    %get3A_4 = vector.load %arg2[%get3A_2, %get3A_3] : memref<2048x256xf32, #tpu.memory_space<vmem>>, vector<2048x256xf32>
    %convert_element_type3A_5 = arith.truncf %get3A_4 : vector<2048x256xf32> to vector<2048x256xbf16>
    %dot_general3A = arith.constant dense<0.000000e+00> : vector<256x2048xf32>
    %dot_general3A_6 = tpu.matmul %convert_element_type3A, %convert_element_type3A_5, %dot_general3A {dimension_numbers = #tpu.dot_dimension_numbers<[1], [1], [0], [0], [0, 0, 1, 0], [], []>, transpose_lhs_hint = false} : vector<256x256xbf16>, vector<2048x256xbf16>, vector<256x2048xf32> -> vector<256x2048xf32>
    %get3A_7 = arith.constant 0 : index
    %get3A_8 = vector.load %arg3[%get3A_7] : memref<2048xf32, #tpu.memory_space<vmem>>, vector<2048xf32>
    %broadcast_in_dim3A = vector.shape_cast %get3A_8 : vector<2048xf32> to vector<1x2048xf32>
    %add3A = vector.broadcast %broadcast_in_dim3A : vector<1x2048xf32> to vector<256x2048xf32>
    %add3A_9 = arith.addf %dot_general3A_6, %add3A : vector<256x2048xf32>
    %get3A_10 = arith.constant 0 : index
    %get3A_11 = vector.load %arg4[%get3A_10] : memref<2048xf32, #tpu.memory_space<vmem>>, vector<2048xf32>
    %mul3A = arith.constant 2048 : i32
    %mul3A_12 = arith.muli %arg0, %mul3A : i32
    %iota3A = tpu.iota {dimensions = array<i32: 1>} : vector<1x2048xi32>
    %add3A_13 = vector.broadcast %mul3A_12 : i32 to vector<1x2048xi32>
    %add3A_14 = arith.addi %add3A_13, %iota3A : vector<1x2048xi32>
    %lt3A = arith.constant 100000 : i32
    %lt3A_15 = vector.broadcast %lt3A : i32 to vector<1x2048xi32>
    %lt3A_16 = arith.cmpi slt, %add3A_14, %lt3A_15 : vector<1x2048xi32>
    %broadcast_in_dim3A_17 = vector.shape_cast %get3A_11 : vector<2048xf32> to vector<1x2048xf32>
    %gt3A = arith.constant 0.000000e+00 : f32
    %gt3A_18 = vector.broadcast %gt3A : f32 to vector<1x2048xf32>
    %gt3A_19 = arith.cmpf ogt, %broadcast_in_dim3A_17, %gt3A_18 : vector<1x2048xf32>
    %and3A = arith.andi %lt3A_16, %gt3A_19 : vector<1x2048xi1>
    %jit3A = arith.constant -1.000000e+30 : f32
    %broadcast_in_dim3A_20 = vector.shape_cast %and3A : vector<1x2048xi1> to vector<1x2048xi1>
    %broadcast_in_dim3A_21 = vector.broadcast %broadcast_in_dim3A_20 : vector<1x2048xi1> to vector<256x2048xi1>
    %broadcast_in_dim3A_22 = vector.broadcast %jit3A : f32 to vector<256x2048xf32>
    %select_n3A = arith.select %broadcast_in_dim3A_21, %add3A_9, %broadcast_in_dim3A_22 : vector<256x2048xi1>, vector<256x2048xf32>
    %reduce_max3A = arith.constant dense<0xFF800000> : vector<256xf32>
    %reduce_max3A_23 = vector.multi_reduction <maximumf>, %select_n3A, %reduce_max3A [1] : vector<256x2048xf32> to vector<256xf32>
    %broadcast_in_dim3A_24 = vector.shape_cast %reduce_max3A_23 : vector<256xf32> to vector<256x1xf32>
    %sub3A = vector.broadcast %broadcast_in_dim3A_24 : vector<256x1xf32> to vector<256x2048xf32>
    %sub3A_25 = arith.subf %select_n3A, %sub3A : vector<256x2048xf32>
    %exp3A = math.exp %sub3A_25 : vector<256x2048xf32>
    %jit3A_26 = arith.constant 0.000000e+00 : f32
    %broadcast_in_dim3A_27 = vector.shape_cast %and3A : vector<1x2048xi1> to vector<1x2048xi1>
    %broadcast_in_dim3A_28 = vector.broadcast %broadcast_in_dim3A_27 : vector<1x2048xi1> to vector<256x2048xi1>
    %broadcast_in_dim3A_29 = vector.broadcast %jit3A_26 : f32 to vector<256x2048xf32>
    %select_n3A_30 = arith.select %broadcast_in_dim3A_28, %exp3A, %broadcast_in_dim3A_29 : vector<256x2048xi1>, vector<256x2048xf32>
    %swap3A = arith.constant 0 : index
    %swap3A_31 = arith.constant 0 : index
    %swap3A_32 = vector.load %arg5[%swap3A, %swap3A_31] : memref<256x2048xf32, #tpu.memory_space<vmem>>, vector<256x2048xf32>
    tpu.vector_store %arg5[%swap3A, %swap3A_31], %select_n3A_30 {strides = array<i32>} : memref<256x2048xf32, #tpu.memory_space<vmem>>, vector<256x2048xf32>,
    %swap3A_33 = arith.constant 0 : index
    %swap3A_34 = arith.constant 0 : index
    %swap3A_35 = arith.constant 0 : index
    %swap3A_36 = vector.load %arg6[%swap3A_33, %swap3A_34, %swap3A_35] : memref<1x2x256xf32, #tpu.memory_space<vmem>>, vector<1x1x256xf32>
    %swap3A_37 = vector.shape_cast %swap3A_36 : vector<1x1x256xf32> to vector<256xf32>
    %swap3A_38 = vector.shape_cast %reduce_max3A_23 : vector<256xf32> to vector<1x1x256xf32>
    tpu.vector_store %arg6[%swap3A_33, %swap3A_34, %swap3A_35], %swap3A_38 {strides = array<i32>} : memref<1x2x256xf32, #tpu.memory_space<vmem>>, vector<1x1x256xf32>,
    %reduce_sum3A = arith.constant dense<0.000000e+00> : vector<256xf32>
    %reduce_sum3A_39 = vector.multi_reduction <add>, %select_n3A_30, %reduce_sum3A [1] : vector<256x2048xf32> to vector<256xf32>
    %swap3A_40 = arith.constant 0 : index
    %swap3A_41 = arith.constant 1 : index
    %swap3A_42 = arith.constant 0 : index
    %swap3A_43 = vector.load %arg6[%swap3A_40, %swap3A_41, %swap3A_42] : memref<1x2x256xf32, #tpu.memory_space<vmem>>, vector<1x1x256xf32>
    %swap3A_44 = vector.shape_cast %swap3A_43 : vector<1x1x256xf32> to vector<256xf32>
    %swap3A_45 = vector.shape_cast %reduce_sum3A_39 : vector<256xf32> to vector<1x1x256xf32>
    tpu.vector_store %arg6[%swap3A_40, %swap3A_41, %swap3A_42], %swap3A_45 {strides = array<i32>} : memref<1x2x256xf32, #tpu.memory_space<vmem>>, vector<1x1x256xf32>,
    return
  }
  func.func @transform_0(%arg0: i32) -> (i32, i32) {
    %c0_i32 = arith.constant 0 : i32
    %c0_i32_0 = arith.constant 0 : i32
    %c0_i32_1 = arith.constant 0 : i32
    return %c0_i32, %c0_i32_0 : i32, i32
  }
  func.func @transform_1(%arg0: i32) -> (i32, i32) {
    %c0_i32 = arith.constant 0 : i32
    %c0_i32_0 = arith.constant 0 : i32
    return %arg0, %c0_i32 : i32, i32
  }
  func.func @transform_2(%arg0: i32) -> i32 {
    %c0_i32 = arith.constant 0 : i32
    return %arg0 : i32
  }
  func.func @transform_3(%arg0: i32) -> i32 {
    %c0_i32 = arith.constant 0 : i32
    return %arg0 : i32
  }
  func.func @transform_4(%arg0: i32) -> (i32, i32) {
    %c0_i32 = arith.constant 0 : i32
    %c0_i32_0 = arith.constant 0 : i32
    return %c0_i32, %arg0 : i32, i32
  }
  func.func @transform_5(%arg0: i32) -> (i32, i32, i32) {
    %c0_i32 = arith.constant 0 : i32
    %c0_i32_0 = arith.constant 0 : i32
    %c0_i32_1 = arith.constant 0 : i32
    return %arg0, %c0_i32, %c0_i32_0 : i32, i32, i32
  }
}

module attributes {stable_mosaic.version = 14 : i64} {
  func.func @body(%arg0: i32, %arg1: memref<16x64xf32, #tpu.memory_space<vmem>>, %arg2: memref<16x800x64xf32, #tpu.memory_space<vmem>>, %arg3: memref<16x128xf32, #tpu.memory_space<vmem>>, %arg4: memref<16x800x128xf32, #tpu.memory_space<vmem>>, %arg5: memref<16x800xf32, #tpu.memory_space<vmem>>, %arg6: memref<16x128xf32, #tpu.memory_space<vmem>>, %arg7: memref<2x256xf32, #tpu.memory_space<vmem>>, %arg8: memref<2xf32, #tpu.memory_space<vmem>>, %arg9: memref<16x128xf32, #tpu.memory_space<vmem>>, %arg10: memref<16x800xf32, #tpu.memory_space<vmem>>, %arg11: memref<16x128xf32, #tpu.memory_space<vmem>>) attributes {dimension_semantics = [#tpu.dimension_semantics<arbitrary>], iteration_bounds = array<i64: 16>, scalar_prefetch = 0 : i64, scratch_operands = 0 : i64, tpu.core_type = #tpu.core_type<tc>, window_params = [{transform_indices = @transform_0, window_bounds = array<i64: 16, 64>}, {transform_indices = @transform_1, window_bounds = array<i64: 16, 800, 64>}, {transform_indices = @transform_2, window_bounds = array<i64: 16, 128>}, {transform_indices = @transform_3, window_bounds = array<i64: 16, 800, 128>}, {transform_indices = @transform_4, window_bounds = array<i64: 16, 800>}, {transform_indices = @transform_5, window_bounds = array<i64: 16, 128>}, {pipeline_mode = #tpu.pipeline_mode<synchronous>, transform_indices = @transform_6, window_bounds = array<i64: 2, 256>}, {pipeline_mode = #tpu.pipeline_mode<synchronous>, transform_indices = @transform_7, window_bounds = array<i64: 2>}, {transform_indices = @transform_8, window_bounds = array<i64: 16, 128>}, {transform_indices = @transform_9, window_bounds = array<i64: 16, 800>}, {transform_indices = @transform_10, window_bounds = array<i64: 16, 128>}]} {
    %get3A = arith.constant 0 : index
    %get3A_0 = arith.constant 0 : index
    %get3A_1 = arith.constant 0 : index
    %get3A_2 = vector.load %arg4[%get3A, %get3A_0, %get3A_1] : memref<16x800x128xf32, #tpu.memory_space<vmem>>, vector<16x800x128xf32>
    %get3A_3 = arith.constant 0 : index
    %get3A_4 = arith.constant 0 : index
    %get3A_5 = vector.load %arg3[%get3A_3, %get3A_4] : memref<16x128xf32, #tpu.memory_space<vmem>>, vector<16x128xf32>
    %convert_element_type3A = arith.truncf %get3A_2 : vector<16x800x128xf32> to vector<16x800x128xbf16>
    %convert_element_type3A_6 = arith.truncf %get3A_5 : vector<16x128xf32> to vector<16x128xbf16>
    %dot_general3A = arith.constant dense<0.000000e+00> : vector<16x800xf32>
    %dot_general3A_7 = tpu.matmul %convert_element_type3A, %convert_element_type3A_6, %dot_general3A {dimension_numbers = #tpu.dot_dimension_numbers<[2], [1], [1], [], [0, 0, 0, 1], [0], [0]>, transpose_lhs_hint = false} : vector<16x800x128xbf16>, vector<16x128xbf16>, vector<16x800xf32> -> vector<16x800xf32>
    %get3A_8 = arith.constant 0 : index
    %get3A_9 = arith.constant 0 : index
    %get3A_10 = arith.constant 0 : index
    %get3A_11 = vector.load %arg2[%get3A_8, %get3A_9, %get3A_10] : memref<16x800x64xf32, #tpu.memory_space<vmem>>, vector<16x800x64xf32>
    %convert_element_type3A_12 = arith.truncf %get3A_11 : vector<16x800x64xf32> to vector<16x800x64xbf16>
    %convert_element_type3A_13 = arith.extf %convert_element_type3A_12 : vector<16x800x64xbf16> to vector<16x800x64xf32>
    %get3A_14 = arith.constant 0 : index
    %get3A_15 = arith.constant 0 : index
    %get3A_16 = vector.load %arg1[%get3A_14, %get3A_15] : memref<16x64xf32, #tpu.memory_space<vmem>>, vector<16x64xf32>
    %convert_element_type3A_17 = arith.truncf %get3A_16 : vector<16x64xf32> to vector<16x64xbf16>
    %convert_element_type3A_18 = arith.extf %convert_element_type3A_17 : vector<16x64xbf16> to vector<16x64xf32>
    %broadcast_in_dim3A = vector.shape_cast %convert_element_type3A_18 : vector<16x64xf32> to vector<16x1x64xf32>
    %mul3A = vector.broadcast %broadcast_in_dim3A : vector<16x1x64xf32> to vector<16x800x64xf32>
    %mul3A_19 = arith.mulf %convert_element_type3A_13, %mul3A : vector<16x800x64xf32>
    %reduce_sum3A = arith.constant dense<0.000000e+00> : vector<16x800xf32>
    %reduce_sum3A_20 = vector.multi_reduction <add>, %mul3A_19, %reduce_sum3A [2] : vector<16x800x64xf32> to vector<16x800xf32>
    %add3A = arith.addf %dot_general3A_7, %reduce_sum3A_20 : vector<16x800xf32>
    %get3A_21 = arith.constant 0 : index
    %get3A_22 = arith.constant 0 : index
    %get3A_23 = vector.load %arg5[%get3A_21, %get3A_22] : memref<16x800xf32, #tpu.memory_space<vmem>>, vector<16x800xf32>
    %gt3A = arith.constant 0.000000e+00 : f32
    %gt3A_24 = vector.broadcast %gt3A : f32 to vector<16x800xf32>
    %gt3A_25 = arith.cmpf ogt, %get3A_23, %gt3A_24 : vector<16x800xf32>
    %jit3A = arith.constant -1.000000e+30 : f32
    %broadcast_in_dim3A_26 = vector.broadcast %jit3A : f32 to vector<16x800xf32>
    %select_n3A = arith.select %gt3A_25, %add3A, %broadcast_in_dim3A_26 : vector<16x800xi1>, vector<16x800xf32>
    %reduce_max3A = arith.constant dense<0xFF800000> : vector<16xf32>
    %reduce_max3A_27 = vector.multi_reduction <maximumf>, %select_n3A, %reduce_max3A [1] : vector<16x800xf32> to vector<16xf32>
    %broadcast_in_dim3A_28 = vector.shape_cast %reduce_max3A_27 : vector<16xf32> to vector<16x1xf32>
    %gt3A_29 = arith.constant 0.000000e+00 : f32
    %gt3A_30 = vector.broadcast %gt3A_29 : f32 to vector<16x800xf32>
    %gt3A_31 = arith.cmpf ogt, %get3A_23, %gt3A_30 : vector<16x800xf32>
    %sub3A = vector.broadcast %broadcast_in_dim3A_28 : vector<16x1xf32> to vector<16x800xf32>
    %sub3A_32 = arith.subf %select_n3A, %sub3A : vector<16x800xf32>
    %exp3A = math.exp %sub3A_32 : vector<16x800xf32>
    %jit3A_33 = arith.constant 0.000000e+00 : f32
    %broadcast_in_dim3A_34 = vector.broadcast %jit3A_33 : f32 to vector<16x800xf32>
    %select_n3A_35 = arith.select %gt3A_31, %exp3A, %broadcast_in_dim3A_34 : vector<16x800xi1>, vector<16x800xf32>
    %reduce_sum3A_36 = arith.constant dense<0.000000e+00> : vector<16xf32>
    %reduce_sum3A_37 = vector.multi_reduction <add>, %select_n3A_35, %reduce_sum3A_36 [1] : vector<16x800xf32> to vector<16xf32>
    %broadcast_in_dim3A_38 = vector.shape_cast %reduce_sum3A_37 : vector<16xf32> to vector<16x1xf32>
    %div3A = vector.broadcast %broadcast_in_dim3A_38 : vector<16x1xf32> to vector<16x800xf32>
    %div3A_39 = arith.divf %select_n3A_35, %div3A : vector<16x800xf32>
    %dot_general3A_40 = arith.constant dense<0.000000e+00> : vector<16x128xf32>
    %dot_general3A_41 = tpu.matmul %div3A_39, %get3A_2, %dot_general3A_40 {dimension_numbers = #tpu.dot_dimension_numbers<[1], [1], [], [2], [0, 0, 1, 2], [0], [0]>, precision = #tpu.contract_precision<fp32>, transpose_lhs_hint = false} : vector<16x800xf32>, vector<16x800x128xf32>, vector<16x128xf32> -> vector<16x128xf32>
    %swap3A = arith.constant 0 : index
    %swap3A_42 = arith.constant 0 : index
    %swap3A_43 = vector.load %arg9[%swap3A, %swap3A_42] : memref<16x128xf32, #tpu.memory_space<vmem>>, vector<16x128xf32>
    tpu.vector_store %arg9[%swap3A, %swap3A_42], %dot_general3A_41 {strides = array<i32>} : memref<16x128xf32, #tpu.memory_space<vmem>>, vector<16x128xf32>,
    %get3A_44 = arith.constant 0 : index
    %get3A_45 = arith.constant 0 : index
    %get3A_46 = vector.load %arg6[%get3A_44, %get3A_45] : memref<16x128xf32, #tpu.memory_space<vmem>>, vector<16x128xf32>
    %concatenate3A = tpu.concatenate %get3A_46, %get3A_5 in 1 : vector<16x128xf32>, vector<16x128xf32> -> vector<16x256xf32>
    %convert_element_type3A_47 = arith.truncf %concatenate3A : vector<16x256xf32> to vector<16x256xbf16>
    %get3A_48 = arith.constant 0 : index
    %get3A_49 = arith.constant 0 : index
    %get3A_50 = vector.load %arg7[%get3A_48, %get3A_49] : memref<2x256xf32, #tpu.memory_space<vmem>>, vector<2x256xf32>
    %convert_element_type3A_51 = arith.truncf %get3A_50 : vector<2x256xf32> to vector<2x256xbf16>
    %dot_general3A_52 = arith.constant dense<0.000000e+00> : vector<16x2xf32>
    %dot_general3A_53 = tpu.matmul %convert_element_type3A_47, %convert_element_type3A_51, %dot_general3A_52 {dimension_numbers = #tpu.dot_dimension_numbers<[1], [1], [0], [0], [0, 0, 1, 0], [], []>, transpose_lhs_hint = false} : vector<16x256xbf16>, vector<2x256xbf16>, vector<16x2xf32> -> vector<16x2xf32>
    %get3A_54 = arith.constant 0 : index
    %get3A_55 = vector.load %arg8[%get3A_54] : memref<2xf32, #tpu.memory_space<vmem>>, vector<2xf32>
    %broadcast_in_dim3A_56 = vector.shape_cast %get3A_55 : vector<2xf32> to vector<1x2xf32>
    %add3A_57 = vector.broadcast %broadcast_in_dim3A_56 : vector<1x2xf32> to vector<16x2xf32>
    %add3A_58 = arith.addf %dot_general3A_53, %add3A_57 : vector<16x2xf32>
    %slice3A = vector.extract_strided_slice %add3A_58 {offsets = [0, 1], sizes = [16, 1], strides = [1, 1]} : vector<16x2xf32> to vector<16x1xf32>
    %squeeze3A = vector.shape_cast %slice3A : vector<16x1xf32> to vector<16xf32>
    %slice3A_59 = vector.extract_strided_slice %add3A_58 {offsets = [0, 0], sizes = [16, 1], strides = [1, 1]} : vector<16x2xf32> to vector<16x1xf32>
    %squeeze3A_60 = vector.shape_cast %slice3A_59 : vector<16x1xf32> to vector<16xf32>
    %sub3A_61 = arith.subf %squeeze3A, %squeeze3A_60 : vector<16xf32>
    %exp3A_62 = math.exp %sub3A_61 : vector<16xf32>
    %add3A_63 = arith.constant 1.000000e+00 : f32
    %add3A_64 = vector.broadcast %add3A_63 : f32 to vector<16xf32>
    %add3A_65 = arith.addf %add3A_64, %exp3A_62 : vector<16xf32>
    %div3A_66 = arith.constant 1.000000e+00 : f32
    %div3A_67 = vector.broadcast %div3A_66 : f32 to vector<16xf32>
    %div3A_68 = arith.divf %div3A_67, %add3A_65 : vector<16xf32>
    %neg3A = arith.constant 0.000000e+00 : f32
    %neg3A_69 = vector.broadcast %neg3A : f32 to vector<16xf32>
    %neg3A_70 = arith.subf %neg3A_69, %sub3A_61 : vector<16xf32>
    %exp3A_71 = math.exp %neg3A_70 : vector<16xf32>
    %add3A_72 = arith.constant 1.000000e+00 : f32
    %add3A_73 = vector.broadcast %add3A_72 : f32 to vector<16xf32>
    %add3A_74 = arith.addf %add3A_73, %exp3A_71 : vector<16xf32>
    %div3A_75 = arith.constant 1.000000e+00 : f32
    %div3A_76 = vector.broadcast %div3A_75 : f32 to vector<16xf32>
    %div3A_77 = arith.divf %div3A_76, %add3A_74 : vector<16xf32>
    %broadcast_in_dim3A_78 = vector.shape_cast %div3A_77 : vector<16xf32> to vector<16x1xf32>
    %mul3A_79 = vector.broadcast %broadcast_in_dim3A_78 : vector<16x1xf32> to vector<16x800xf32>
    %mul3A_80 = arith.mulf %div3A_39, %mul3A_79 : vector<16x800xf32>
    %swap3A_81 = arith.constant 0 : index
    %swap3A_82 = arith.constant 0 : index
    %swap3A_83 = vector.load %arg10[%swap3A_81, %swap3A_82] : memref<16x800xf32, #tpu.memory_space<vmem>>, vector<16x800xf32>
    tpu.vector_store %arg10[%swap3A_81, %swap3A_82], %mul3A_80 {strides = array<i32>} : memref<16x800xf32, #tpu.memory_space<vmem>>, vector<16x800xf32>,
    %broadcast_in_dim3A_84 = vector.shape_cast %div3A_68 : vector<16xf32> to vector<16x1xf32>
    %broadcast_in_dim3A_85 = vector.shape_cast %broadcast_in_dim3A_84 : vector<16x1xf32> to vector<16x1xf32>
    %broadcast_in_dim3A_86 = vector.broadcast %broadcast_in_dim3A_85 : vector<16x1xf32> to vector<16x128xf32>
    %swap3A_87 = arith.constant 0 : index
    %swap3A_88 = arith.constant 0 : index
    %swap3A_89 = vector.load %arg11[%swap3A_87, %swap3A_88] : memref<16x128xf32, #tpu.memory_space<vmem>>, vector<16x128xf32>
    tpu.vector_store %arg11[%swap3A_87, %swap3A_88], %broadcast_in_dim3A_86 {strides = array<i32>} : memref<16x128xf32, #tpu.memory_space<vmem>>, vector<16x128xf32>,
    return
  }
  func.func @transform_0(%arg0: i32) -> (i32, i32) {
    %c0_i32 = arith.constant 0 : i32
    %c0_i32_0 = arith.constant 0 : i32
    return %arg0, %c0_i32 : i32, i32
  }
  func.func @transform_1(%arg0: i32) -> (i32, i32, i32) {
    %c0_i32 = arith.constant 0 : i32
    %c0_i32_0 = arith.constant 0 : i32
    %c0_i32_1 = arith.constant 0 : i32
    return %arg0, %c0_i32, %c0_i32_0 : i32, i32, i32
  }
  func.func @transform_2(%arg0: i32) -> (i32, i32) {
    %c0_i32 = arith.constant 0 : i32
    %c0_i32_0 = arith.constant 0 : i32
    return %arg0, %c0_i32 : i32, i32
  }
  func.func @transform_3(%arg0: i32) -> (i32, i32, i32) {
    %c0_i32 = arith.constant 0 : i32
    %c0_i32_0 = arith.constant 0 : i32
    %c0_i32_1 = arith.constant 0 : i32
    return %arg0, %c0_i32, %c0_i32_0 : i32, i32, i32
  }
  func.func @transform_4(%arg0: i32) -> (i32, i32) {
    %c0_i32 = arith.constant 0 : i32
    %c0_i32_0 = arith.constant 0 : i32
    return %arg0, %c0_i32 : i32, i32
  }
  func.func @transform_5(%arg0: i32) -> (i32, i32) {
    %c0_i32 = arith.constant 0 : i32
    %c0_i32_0 = arith.constant 0 : i32
    return %arg0, %c0_i32 : i32, i32
  }
  func.func @transform_6(%arg0: i32) -> (i32, i32) {
    %c0_i32 = arith.constant 0 : i32
    %c0_i32_0 = arith.constant 0 : i32
    %c0_i32_1 = arith.constant 0 : i32
    return %c0_i32, %c0_i32_0 : i32, i32
  }
  func.func @transform_7(%arg0: i32) -> i32 {
    %c0_i32 = arith.constant 0 : i32
    %c0_i32_0 = arith.constant 0 : i32
    return %c0_i32 : i32
  }
  func.func @transform_8(%arg0: i32) -> (i32, i32) {
    %c0_i32 = arith.constant 0 : i32
    %c0_i32_0 = arith.constant 0 : i32
    return %arg0, %c0_i32 : i32, i32
  }
  func.func @transform_9(%arg0: i32) -> (i32, i32) {
    %c0_i32 = arith.constant 0 : i32
    %c0_i32_0 = arith.constant 0 : i32
    return %arg0, %c0_i32 : i32, i32
  }
  func.func @transform_10(%arg0: i32) -> (i32, i32) {
    %c0_i32 = arith.constant 0 : i32
    %c0_i32_0 = arith.constant 0 : i32
    return %arg0, %c0_i32 : i32, i32
  }
}

</mosaic_0001>

<sc_bundles>
// kernel: kernel.5.cloned.1.call-start
scs
__scs_entry_jumppad:
0x0: {  	(pc) =	sbr.rel $0x88, $3  }
0x1: {  	(tag) =	ssettag $0x0;
	lr =	simm.s32 $0x1  }
0x2: {  	[smem:$0x3F95] =	sst lr;
	_ =	strace $0xD0000000  }
0x3: {  	_ = 	snop  }
0x4: {  	_ = 	snop  }
0x5: {  	_ = 	snop  }
0x6: {  	_ = 	snop  }
0x7: {  	_ = 	snop  }
__scs_overlays_trampoline_lowered:
0x8: {  	[smem:$0x3FA4] =	sst s0  }
0x9: {  	[smem:$0x3FA5] =	sst s1  }
0xa: {  	[smem:$0x3FA6] =	sst s2  }
0xb: {  	[smem:$0x3FA7] =	sst s3  }
0xc: {  	[smem:$0x3FA8] =	sst s4  }
0xd: {  	[smem:$0x3FA9] =	sst s5  }
0xe: {  	[smem:$0x3FAA] =	sst s6  }
0xf: {  	[smem:$0x3FAB] =	sst s7  }
0x10: {  	[smem:$0x3FAC] =	sst s8  }
0x11: {  	[smem:$0x3FAD] =	sst s9;
	s0 =	simm.s32 @!p0 $0x0  }
0x12: {  	s1 =	sld [smem:$0x3F93];
	s0 =	simm.s32 @p0 $0x1  }
0x13: {  	[smem:$0x3FAE] =	sst s0;
	s0 =	simm.s32 @!p1 $0x0  }
0x14: {  	s2 =	sld [smem:$0x3F92];
	s0 =	simm.s32 @p1 $0x1  }
0x15: {  	[smem:$0x3FAF] =	sst s0;
	s0 =	simm.s32 @!p2 $0x0  }
0x16: {  	s3 =	sld [smem:$0x3FDB];
	s0 =	simm.s32 @p2 $0x1  }
0x17: {  	s4 =	simm.s32 $0x1BF5;
	[smem:$0x3FB1] =	sst s0  }
0x18: {  	s0 =	sld [smem:$0x3F94];
	_ =	swait.ge [sflag:s4], $0x0  }
0x19: {  	s7 =	sld [smem:$0x3F95]  }
0x1a: {  	s8 =	sadd.s32 $0xFFFFE003, lr  }
0x1b: {  	s9 =	sadd.s32 $0xFFFFFEF7, lr;
	s5 =	simm.s32 $0xFFFFFFFF;
	p2 =	slt.u32 s8, $0xFFFFF086  }
0x1c: {  	p1 =	slt.u32 s9, $0xF7A;
	s5 =	simm.s32 @!p2 $0x0  }
0x1d: {  	s5 =	simm.s32 @p1 $0x1;
	p0 =	seq.s32 s7, s2  }
0x1e: {  	s7 =	smul.u32 @!p0 $0xF7A, s2;
	p2 =	seq.s32 @!p0 s5, $0x0  }
0x1f: {  	s9 =	smul.u32 $0xF7A, s1;
	s8 =	simm.s32 @!p0 $0x1BF5;
	p2 =	por !p2, p0  }
0x20: {  	[sflag:s8] =	ssyncset.s32 @!p0 $0xFFFFF086;
	s6 =	sadd.s32 @!p0 s3, s7;
	s7 =	simm.s32 @!p0 $0x108  }
0x21: {  	s3 =	sadd.s32 s3, s9;
	s6 =	sadd.s32 @!p0 $0x88, s6;
	s7 =	simm.s32 @p2 $0x1082  }
0x22: {  	[simem:s7], [sflag:s8] =	dma.local @!p0 [hbm:s6], $0xF7A  }
0x23: {  	s9 =	sor.u32 $0xD0000000, s2;
	s6 =	simm.s32 $0x108;
	_ =	swait.ge @!p0 [sflag:s8], $0x0  }
0x24: {  	s3 =	sadd.s32 $0x88, s3;
	s6 =	simm.s32 @!p1 $0x1082;
	[sflag:s4] =	ssyncset.s32 $0xFFFFF086  }
0x25: {  	[simem:s6], [sflag:s4] =	dma.local [hbm:s3], $0xF7A  }
0x26: {  	[smem:$0x3F95] =	sst s1;
	(tag) =	ssettag s2;
	_ =	strace s9  }
0x27: {  	s1 =	sld [smem:$0x3FA5]  }
0x28: {  	s2 =	sld [smem:$0x3FA6]  }
0x29: {  	s4 =	sld [smem:$0x3FA8]  }
0x2a: {  	p0 =	seq.s32 s5, $0x0;
	s5 =	sld [smem:$0x3FA9]  }
0x2b: {  	s6 =	sld [smem:$0x3FAA]  }
0x2c: {  	s7 =	sld [smem:$0x3FAB]  }
0x2d: {  	s3 =	simm.s32 $0x108;
	s8 =	sld [smem:$0x3FAC]  }
0x2e: {  	s3 =	simm.s32 @!p0 $0x1082;
	s9 =	sld [smem:$0x3FAD]  }
0x2f: {  	lr =	sadd.s32 s0, s3;
	s0 =	sld [smem:$0x3FA4]  }
0x30: {  	s3 =	sld [smem:$0x3FA7]  }
0x31: {  	[smem:$0x3FB0] =	sst s10  }
0x32: {  	s10 =	sld [smem:$0x3FAE];
	_ =	sdelay $0x3  }
0x33: {  	p0 =	seq.s32 s10, $0x1;
	s10 =	sld [smem:$0x3FB0];
	_ =	sdelay $0x3  }
0x34: {  	[smem:$0x3FB0] =	sst s10  }
0x35: {  	s10 =	sld [smem:$0x3FAF];
	_ =	sdelay $0x3  }
0x36: {  	p1 =	seq.s32 s10, $0x1;
	s10 =	sld [smem:$0x3FB0];
	_ =	sdelay $0x3  }
0x37: {  	[smem:$0x3FB0] =	sst s10  }
0x38: {  	s10 =	sld [smem:$0x3FB1]  }
0x39: {  	_ = 	snop;
	(pc) =	sbr.ind lr, $3  }
0x3a: {  	_ = 	snop  }
0x3b: {  	_ = 	snop  }
0x3c: {  	p2 =	seq.s32 s10, $0x1;
	s10 =	sld [smem:$0x3FB0]  }
0x3d: {  	_ =	shalt  }
0x3e: {  	_ =	shalt  }
0x3f: {  	_ =	shalt  }
0x40: {  	_ =	shalt  }
0x41: {  	_ =	shalt  }
0x42: {  	_ =	shalt  }
0x43: {  	_ =	shalt  }
0x44: {  	_ =	shalt  }
0x45: {  	_ =	shalt  }
0x46: {  	_ =	shalt  }
0x47: {  	_ =	shalt  }
0x48: {  	_ =	shalt  }
0x49: {  	_ =	shalt  }
0x4a: {  	_ =	shalt  }
0x4b: {  	_ =	shalt  }
0x4c: {  	_ =	shalt  }
0x4d: {  	_ =	shalt  }
0x4e: {  	_ =	shalt  }
0x4f: {  	_ =	shalt  }
0x50: {  	_ =	shalt  }
0x51: {  	_ =	shalt  }
0x52: {  	_ =	shalt  }
0x53: {  	_ =	shalt  }
0x54: {  	_ =	shalt  }
0x55: {  	_ =	shalt  }
0x56: {  	_ =	shalt  }
0x57: {  	_ =	shalt  }
0x58: {  	_ =	shalt  }
0x59: {  	_ =	shalt  }
0x5a: {  	_ =	shalt  }
0x5b: {  	_ =	shalt  }
0x5c: {  	_ =	shalt  }
0x5d: {  	_ =	shalt  }
0x5e: {  	_ =	shalt  }
0x5f: {  	_ =	shalt  }
0x60: {  	_ =	shalt  }
0x61: {  	_ =	shalt  }
0x62: {  	_ =	shalt  }
0x63: {  	_ =	shalt  }
0x64: {  	_ =	shalt  }
0x65: {  	_ =	shalt  }
0x66: {  	_ =	shalt  }
0x67: {  	_ =	shalt  }
0x68: {  	_ =	shalt  }
0x69: {  	_ =	shalt  }
0x6a: {  	_ =	shalt  }
0x6b: {  	_ =	shalt  }
0x6c: {  	_ =	shalt  }
0x6d: {  	_ =	shalt  }
0x6e: {  	_ =	shalt  }
0x6f: {  	_ =	shalt  }
0x70: {  	_ =	shalt  }
0x71: {  	_ =	shalt  }
0x72: {  	_ =	shalt  }
0x73: {  	_ =	shalt  }
0x74: {  	_ =	shalt  }
0x75: {  	_ =	shalt  }
0x76: {  	_ =	shalt  }
0x77: {  	_ =	shalt  }
0x78: {  	_ =	shalt  }
0x79: {  	_ =	shalt  }
0x7a: {  	_ =	shalt  }
0x7b: {  	_ =	shalt  }
0x7c: {  	_ =	shalt  }
0x7d: {  	_ =	shalt  }
0x7e: {  	_ =	shalt  }
0x7f: {  	_ =	shalt  }
0x80: {  	_ =	shalt  }
0x81: {  	_ =	shalt  }
0x82: {  	_ =	shalt  }
0x83: {  	_ =	shalt  }
0x84: {  	_ =	shalt  }
0x85: {  	_ =	shalt  }
0x86: {  	_ =	shalt  }
0x87: {  	_ =	shalt  }
.Lfunc_end0:
.L_simem_size_0:
called_computation.1_lowered:
.L_overlay_start_0:
0x88: {  	s2 =	sld [smem:$0x3FD9]  }
0x89: {  	s3 =	sld [smem:$0x3FFE];
	_ =	sdelay $0x1  }
0x8a: {  	s1 =	srdreg.scid  }
0x8b: {  	s0 =	sand.u32 $0x1, s1  }
0x8c: {  	s14 =	sshll.u32 s0, $0xA;
	s2 =	sadd.s32 s3, s2  }
0x8d: {  	s2 =	sadd.s32 s2, s14  }
0x8e: {  	[smem:$0x3FBC] =	sst s2  }
0x8f: {  	_ = 	snop  }
0x90: {  	s2 =	sld [smem:$0x3FD0];
	_ =	sdelay $0x2  }
0x91: {  	s15 =	simm.s32 $0xA;
	s4 =	simm.s32 $0x10  }
0x92: {  	[smem:s4], [sflag:s15] =	dma.local [hbm:s2], $0x1  }
0x93: {  	_ =	swait.eq [sflag:s15], $0x1  }
0x94: {  	[sflag:s15] =	ssyncset.done $0x0  }
0x95: {  	[sflag:s15] =	ssyncadd.s32 $0xFFFFFFFF  }
0x96: {  	s16 =	sld [smem:$0x10];
	(tm) =	ssettm $0x1  }
0x97: {  	s17 =	sld [smem:$0x3FFB];
	_ =	sdelay $0x3  }
0x98: {  	_ =	strace s17  }
0x99: {  	s3 =	sld [smem:$0x3FFC];
	_ =	sdelay $0x3  }
0x9a: {  	_ =	strace s3  }
0x9b: {  	s3 =	sld [smem:$0x3FFD];
	_ =	sdelay $0x3  }
0x9c: {  	_ =	strace s3  }
0x9d: {  	_ =	strace $0x8FFFFFFF  }
0x9e: {  	s18 =	sld [smem:$0x3FDB];
	_ =	sdelay $0x1  }
0x9f: {  	s19 =	simm.s32 $_scs_section_size  }
0xa0: {  	s5 =	simm.s32 $_size__tile_overlayer_lowered;
	s6 =	simm.s32 $_tile_overlayer_lowered  }
0xa1: {  	s22 =	simm.s32 $0x1BFF;
	s21 =	sshll.u32 s6, $0x1;
	s3 =	sadd.s32 s19, s18  }
0xa2: {  	s7 =	simm.s32 $0x0;
	s20 =	sshll.u32 s5, $0x1;
	s5 =	sadd.s32 s21, s3  }
0xa3: {  	[timem:s7], [sflag:s22] =	dma.local [hbm:s5], s20  }
0xa4: {  	_ =	swait.ge [sflag:s22], s20  }
0xa5: {  	s4 =	ssub.s32 $0x0, s20;
	[sflag:s22] =	ssyncset.done $0x0  }
0xa6: {  	[sflag:s22] =	ssyncadd.s32 s4;
	_ =	sdelay $0x1  }
0xa7: {  	s23 =	simm.s32 $0x1B8B  }
0xa8: {  	_ =	swait.ge [sflag:s23], $0x1  }
0xa9: {  	[sflag:s23] =	ssyncset.done $0x0  }
0xaa: {  	s25 =	simm.s32 $0x1B8E;
	s24 =	sld [smem:$0x3FFE];
	[sflag:s23] =	ssyncadd.s32 $0xFFFFFFFF  }
0xab: {  	s26 =	simm.s32 $execute0_lowered;
	[smem:$0x3FD2] =	sst s25  }
0xac: {  	s5 =	sshll.u32 s26, $0x1;
	_ =	strace $0x80000049;
	[dreg:$0x1] =	wrdreg $0xFFFFFFFF  }
0xad: {  	s28 =	simm.s32 $_size_execute0_lowered;
	s3 =	sadd.s32 s3, s5;
	[dreg:$0x0] =	wrdreg $0x0  }
0xae: {  	s5 =	sshll.u32 s28, $0x1;
	[dreg:$0x2] =	wrdreg s3  }
0xaf: {  	[dreg:$0x3] =	wrdreg s5  }
0xb0: {  	[dreg:$0x4] =	wrdreg $0xC0  }
0xb1: {  	_ =	task [dreg:s7], $0x5FFFF  }
0xb2: {  	[dreg:$0x1] =	wrdreg $0xFFFFFFFF  }
0xb3: {  	[dreg:$0x0] =	wrdreg $0x60  }
0xb4: {  	[dreg:$0x2] =	wrdreg s24  }
0xb5: {  	[dreg:$0x3] =	wrdreg s16  }
0xb6: {  	[dreg:$0x4] =	wrdreg $0x9  }
0xb7: {  	_ =	task.clear_ibuf [dreg:s7], $0x5FFFF;
	_ =	strace $0x90000049  }
0xb8: {  	s29 =	simm.s32 $0x9;
	_ =	strace $0x8000004B  }
0xb9: {  	_ =	swait.ge [sflag:s29], $0x1  }
0xba: {  	[sflag:s29] =	ssyncadd.s32 $0xFFFFFFFF  }
0xbb: {  	_ =	strace $0x9000004B  }
0xbc: {  	_ =	sfence  }
0xbd: {  	s30 =	sld [smem:$0x0];
	_ =	sdelay $0x2  }
0xbe: {  	s31 =	sshll.u32 s1, $0xD;
	s1 =	sshrl.u32 s1, $0x2  }
0xbf: {  	s3 =	sand.u32 $0x4000, s31;
	s1 =	sadd.s32 s1, s30  }
0xc0: {  	s0 =	sor.u32 s3, s0;
	s1 =	sshll.u32 s1, $0x11  }
0xc1: {  	s0 =	sor.u32 s1, s0  }
0xc2: {  	s0 =	sadd.s32 $0x8F2B, s0  }
0xc3: {  	[sflag:s0] =	ssyncadd.remote.s32 $0x1  }
0xc4: {  	_ =	sfence.sel $0xFFFF  }
0xc5: {  	[dreg:$0x0] =	wrdreg $0xFFFFFFFF;
	(pc) =	sbr.abs _section_cstart, $3  }
0xc6: {  	[dreg:$0x1] =	wrdreg $0xFFFFFFFF  }
0xc7: {  	_ =	task.clear_ibuf [dreg:s7], $0x2FFFF;
	_ =	strace $0x9FFFFFFF  }
0xc8: {  	(tm) =	ssettm $0x7FFFFFFF  }
0xc9: {  	_ =	shalt  }
tec
execute0_lowered:
.L_overlay_start_1:
0x0: {  	(tag) =	ssettag $0x1  }
0x1: {  	s0 =	rddreg [dreg:$0x0]  }
0x2: {  	s1 =	rddreg [dreg:$0x1]  }
0x3: {  	s3 =	simm.s32 $0x0;
	s2 =	srdreg.scid;
	s4 =	stileid.u32  }
0x4: {  	s12 =	simm.s32 $0x6000;
	s13 =	simm.s32 $0xC000;
	s14 =	simm.s32 $0x12000  }
0x5: {  	s15 =	simm.s32 $0x80;
	s16 =	simm.s32 $0x400;
	s17 =	simm.s32 $0x18700  }
0x6: {  	s18 =	simm.s32 $0x5;
	s19 =	simm.s32 $0x18A80;
	s20 =	simm.s32 $0x18E00  }
0x7: {  	s21 =	simm.s32 $0x1;
	s22 =	simm.s32 $0x2;
	s23 =	simm.s32 $0x3  }
0x8: {  	s24 =	simm.s32 $0x4;
	s25 =	simm.s32 $0x19180;
	s26 =	simm.s32 $0x0  }
0x9: {  	[smem:$0x7FF] =	sst s3;
	s2 =	sand.u32 $0x1, s2;
	s6 =	sshll.u32 s4, $0x3  }
0xa: {  	s4 =	sadd.s32 $0x311600, s0;
	s5 =	sshll.u32 s2, $0x7;
	s2 =	ssub.s32 $0x2, s2  }
0xb: {  	s7 =	sadd.s32 $0x621E00, s0;
	s5 =	sor.u32 s6, s5;
	s8 =	sshrl.u32 s2, $0x1  }
0xc: {  	s9 =	sadd.s32 $0x1600, s0;
	s10 =	sshrl.u32 s5, $0x3;
	s2 =	ssub.s32 s2, s8  }
0xd: {  	_ =	strace $0x8000004A;
	s8 =	smul.u32 $0x1C00, s10;
	s31 =	smax.u32 s2, $0x1  }
0xe: {  	v0 =	vlaneseq.u32;
	s6 =	sadd.s32 $0x628E00, s0;
	s10 =	smul.u32 $0xC3800, s10;
	[dreg:$0x3] =	wrdreg s31  }
.LBB2_1:
0xf: {  	s28 =	simm.s32 $0x0  }
.LBB2_2:
0x10: {  	s0 =	sor.u32 s5, s28  }
0x11: {  	s0 =	smul.u32 $0x18800, s0;
	_ =	sdelay $0x1  }
0x12: {  	s0 =	sshrl.u32 s0, $0x3  }
0x13: {  	s30 =	simm.s32 $0x0;
	s0 =	sadd.s32 s4, s0  }
0x14: {  	[tilespmem:s30], [sflag:$0x1] =	stream.linear.gather [hbm4b:s0+s30], $0x6000, $0x38;
	[tilespmem:$0x19580] =	vst v63  }
0x15: {  	s2 =	sadd.s32 $0xC00, s0  }
0x16: {  	[tilespmem:s12], [sflag:$0x2] =	stream.linear.gather [hbm4b:s2+s30], $0x6000, $0x38;
	[tilespmem:$0x19580] =	vst v63  }
0x17: {  	s29 =	sshll.u32 s28, $0x7;
	s31 =	sadd.s32 $0x1800, s0  }
0x18: {  	[tilespmem:s13], [sflag:$0x3] =	stream.linear.gather [hbm4b:s31+s30], $0x6000, $0x38;
	[tilespmem:$0x19580] =	vst v63  }
0x19: {  	s0 =	sadd.s32 $0x2400, s0;
	s2 =	sadd.s32 s8, s29  }
0x1a: {  	[tilespmem:s14], [sflag:$0x4] =	stream.linear.gather [hbm4b:s0+s30], $0x66A0, $0x38;
	[tilespmem:$0x19580] =	vst v63  }
0x1b: {  	s0 =	sshrl.u32 s2, $0x3  }
0x1c: {  	s11 =	sadd.s32 s6, s0  }
0x1d: {  	[tilespmem:s17], [sflag:$0x5] =	stream.strided.gather [hbm4b:s11+s15], $0x380, s16, s15, $0x38;
	[tilespmem:$0x19580] =	vst v63  }
0x1e: {  	_ =	swait.ge [sflag:s18], $0x380  }
0x1f: {  	[sflag:s18] =	ssyncset.done $0x0  }
0x20: {  	s31 =	sadd.s32 s7, s0;
	[sflag:s18] =	ssyncadd.s32 $0xFFFFFC80  }
0x21: {  	[tilespmem:s19], [sflag:$0x5] =	stream.strided.gather [hbm4b:s31+s15], $0x380, s16, s15, $0x38;
	[tilespmem:$0x19580] =	vst v63  }
0x22: {  	_ =	swait.ge [sflag:s18], $0x380  }
0x23: {  	[sflag:s18] =	ssyncset.done $0x0  }
0x24: {  	s0 =	sadd.s32 s1, s0;
	[sflag:s18] =	ssyncadd.s32 $0xFFFFFC80  }
0x25: {  	[tilespmem:s20], [sflag:$0x5] =	stream.strided.gather [hbm4b:s0+s15], $0x380, s16, s15, $0x38;
	[tilespmem:$0x19580] =	vst v63  }
0x26: {  	_ =	swait.ge [sflag:s18], $0x380  }
0x27: {  	[sflag:s18] =	ssyncset.done $0x0  }
0x28: {  	[sflag:s18] =	ssyncadd.s32 $0xFFFFFC80  }
0x29: {  	_ =	swait.ge [sflag:s21], $0x6000  }
0x2a: {  	[sflag:s21] =	ssyncset.done $0x0  }
0x2b: {  	s0 =	simm.s32 $0x40;
	[sflag:s21] =	ssyncadd.s32 $0xFFFFA000  }
.LBB2_3:
0x2c: {  	s2 =	sshll.u32 s30, $0x4  }
0x2d: {  	v4 =	vld [tilespmem:s0+$0x30];
	s2 =	sand.u32 $0x3FFFFFF0, s2  }
0x2e: {  	v1 =	vld [tilespmem:s2+$0x18E00]  }
0x2f: {  	v6 =	vld [tilespmem:s0+$0xFFFFFFD0]  }
0x30: {  	v8 =	vld [tilespmem:s0+$0xFFFFFFE0]  }
0x31: {  	v5 =	vld [tilespmem:s0+$0xFFFFFFF0]  }
0x32: {  	v3 =	vld [tilespmem:s0+$0x0]  }
0x33: {  	v2 =	vld [tilespmem:s0+$0x10];
	v9 =	vmul.f32 v4, v1  }
0x34: {  	v4 =	vld [tilespmem:s0+$0x20];
	v7 =	vmul.f32 v6, v1  }
0x35: {  	s11 =	sadd.s32 $0x80, s0;
	s31 =	smov.u32 s0;
	s2 =	simm.s32 $0x0;
	v6 =	vld [tilespmem:s0+$0xFFFFFFC0];
	v8 =	vmul.f32 v8, v1;
	[tilespmem:s0+$0x30] =	vst v9  }
.LBB2_4:
0x36: {  	v9 =	vld [tilespmem:s11+$0x30];
	s2 =	sadd.s32 $0x8, s2;
	[tilespmem:s31+$0xFFFFFFD0] =	vst v7;
	v5 =	vmul.f32 v5, v1  }
0x37: {  	v7 =	vld [tilespmem:s11+$0xFFFFFFD0];
	p0 =	slt.u32 s2, $0x78;
	[tilespmem:s31+$0xFFFFFFE0] =	vst v8;
	v3 =	vmul.f32 v3, v1  }
0x38: {  	v8 =	vld [tilespmem:s11+$0xFFFFFFE0];
	[tilespmem:s31+$0xFFFFFFF0] =	vst v5;
	v2 =	vmul.f32 v2, v1  }
.Ltmp0:
0x39: {  	v5 =	vld [tilespmem:s11+$0xFFFFFFF0];
	[tilespmem:s31+$0x0] =	vst v3;
	v4 =	vmul.f32 v4, v1;
	(pc) =	sbr.rel @p0 .LBB2_4-.Ltmp0, $4  }
0x3a: {  	v3 =	vld [tilespmem:s11+$0x0];
	v6 =	vmul.f32 v6, v1;
	[tilespmem:s31+$0x10] =	vst v2  }
0x3b: {  	v2 =	vld [tilespmem:s11+$0x10];
	v9 =	vmul.f32 v9, v1;
	[tilespmem:s31+$0x20] =	vst v4  }
0x3c: {  	v7 =	vmul.f32 v7, v1;
	v4 =	vld [tilespmem:s11+$0x20];
	[tilespmem:s31+$0xFFFFFFC0] =	vst v6;
	s31 =	smov.u32 s11  }
0x3d: {  	s11 =	sadd.s32 $0x80, s11;
	v6 =	vld [tilespmem:s31+$0xFFFFFFC0];
	v8 =	vmul.f32 v8, v1;
	[tilespmem:s31+$0x30] =	vst v9  }
0x3e: {  	[tilespmem:s31+$0xFFFFFFD0] =	vst v7;
	v5 =	vmul.f32 v5, v1;
	s30 =	sadd.s32 $0x1, s30  }
0x3f: {  	[tilespmem:s31+$0xFFFFFFE0] =	vst v8;
	v3 =	vmul.f32 v3, v1;
	p0 =	sne.s32 s30, $0xC  }
.Ltmp1:
0x40: {  	[tilespmem:s31+$0xFFFFFFF0] =	vst v5;
	v2 =	vmul.f32 v2, v1;
	(pc) =	sbr.rel @p0 .LBB2_3-.Ltmp1, $4  }
0x41: {  	[tilespmem:s31+$0x0] =	vst v3;
	v3 =	vmul.f32 v4, v1  }
0x42: {  	v1 =	vmul.f32 v6, v1;
	[tilespmem:s31+$0x10] =	vst v2  }
0x43: {  	[tilespmem:s31+$0x20] =	vst v3  }
0x44: {  	s0 =	sadd.s32 $0x800, s0;
	[tilespmem:s31+$0xFFFFFFC0] =	vst v1  }
0x45: {  	_ =	swait.ge [sflag:s22], $0x6000  }
0x46: {  	[sflag:s22] =	ssyncset.done $0x0  }
0x47: {  	s30 =	simm.s32 $0xC;
	s31 =	simm.s32 $0x6070;
	[sflag:s22] =	ssyncadd.s32 $0xFFFFA000  }
.LBB2_7:
0x48: {  	s0 =	sshll.u32 s30, $0x4  }
0x49: {  	v4 =	vld [tilespmem:s31+$0x0];
	s0 =	sand.u32 $0x3FFFFFF0, s0  }
0x4a: {  	v1 =	vld [tilespmem:s0+$0x18E00]  }
0x4b: {  	v6 =	vld [tilespmem:s31+$0xFFFFFFA0]  }
0x4c: {  	v8 =	vld [tilespmem:s31+$0xFFFFFFB0]  }
0x4d: {  	v5 =	vld [tilespmem:s31+$0xFFFFFFC0]  }
0x4e: {  	v3 =	vld [tilespmem:s31+$0xFFFFFFD0]  }
0x4f: {  	v2 =	vld [tilespmem:s31+$0xFFFFFFE0];
	v9 =	vmul.f32 v4, v1  }
0x50: {  	v4 =	vld [tilespmem:s31+$0xFFFFFFF0];
	v7 =	vmul.f32 v6, v1  }
0x51: {  	s2 =	simm.s32 $0x0;
	s11 =	sadd.s32 $0x80, s31;
	s0 =	smov.u32 s31;
	v6 =	vld [tilespmem:s31+$0xFFFFFF90];
	v8 =	vmul.f32 v8, v1;
	[tilespmem:s31+$0x0] =	vst v9  }
.LBB2_8:
0x52: {  	v9 =	vld [tilespmem:s11+$0x0];
	s2 =	sadd.s32 $0x8, s2;
	[tilespmem:s0+$0xFFFFFFA0] =	vst v7;
	v5 =	vmul.f32 v5, v1  }
0x53: {  	v7 =	vld [tilespmem:s11+$0xFFFFFFA0];
	p0 =	slt.u32 s2, $0x78;
	[tilespmem:s0+$0xFFFFFFB0] =	vst v8;
	v3 =	vmul.f32 v3, v1  }
0x54: {  	v8 =	vld [tilespmem:s11+$0xFFFFFFB0];
	[tilespmem:s0+$0xFFFFFFC0] =	vst v5;
	v2 =	vmul.f32 v2, v1  }
.Ltmp2:
0x55: {  	v5 =	vld [tilespmem:s11+$0xFFFFFFC0];
	[tilespmem:s0+$0xFFFFFFD0] =	vst v3;
	v4 =	vmul.f32 v4, v1;
	(pc) =	sbr.rel @p0 .LBB2_8-.Ltmp2, $4  }
0x56: {  	v3 =	vld [tilespmem:s11+$0xFFFFFFD0];
	v6 =	vmul.f32 v6, v1;
	[tilespmem:s0+$0xFFFFFFE0] =	vst v2  }
0x57: {  	v2 =	vld [tilespmem:s11+$0xFFFFFFE0];
	v9 =	vmul.f32 v9, v1;
	[tilespmem:s0+$0xFFFFFFF0] =	vst v4  }
0x58: {  	v7 =	vmul.f32 v7, v1;
	v4 =	vld [tilespmem:s11+$0xFFFFFFF0];
	[tilespmem:s0+$0xFFFFFF90] =	vst v6;
	s0 =	smov.u32 s11  }
0x59: {  	s11 =	sadd.s32 $0x80, s11;
	v6 =	vld [tilespmem:s0+$0xFFFFFF90];
	v8 =	vmul.f32 v8, v1;
	[tilespmem:s0+$0x0] =	vst v9  }
0x5a: {  	[tilespmem:s0+$0xFFFFFFA0] =	vst v7;
	v5 =	vmul.f32 v5, v1;
	s30 =	sadd.s32 $0x1, s30  }
0x5b: {  	[tilespmem:s0+$0xFFFFFFB0] =	vst v8;
	v3 =	vmul.f32 v3, v1;
	p0 =	sne.s32 s30, $0x18  }
.Ltmp3:
0x5c: {  	[tilespmem:s0+$0xFFFFFFC0] =	vst v5;
	v2 =	vmul.f32 v2, v1;
	(pc) =	sbr.rel @p0 .LBB2_7-.Ltmp3, $4  }
0x5d: {  	[tilespmem:s0+$0xFFFFFFD0] =	vst v3;
	v3 =	vmul.f32 v4, v1  }
0x5e: {  	v1 =	vmul.f32 v6, v1;
	[tilespmem:s0+$0xFFFFFFE0] =	vst v2  }
0x5f: {  	[tilespmem:s0+$0xFFFFFFF0] =	vst v3  }
0x60: {  	s31 =	sadd.s32 $0x800, s31;
	[tilespmem:s0+$0xFFFFFF90] =	vst v1  }
0x61: {  	_ =	swait.ge [sflag:s23], $0x6000  }
0x62: {  	[sflag:s23] =	ssyncset.done $0x0  }
0x63: {  	s30 =	simm.s32 $0x18;
	s31 =	simm.s32 $0xC070;
	[sflag:s23] =	ssyncadd.s32 $0xFFFFA000  }
.LBB2_11:
0x64: {  	s0 =	sshll.u32 s30, $0x4  }
0x65: {  	v4 =	vld [tilespmem:s31+$0x0];
	s0 =	sand.u32 $0x3FFFFFF0, s0  }
0x66: {  	v1 =	vld [tilespmem:s0+$0x18E00]  }
0x67: {  	v6 =	vld [tilespmem:s31+$0xFFFFFFA0]  }
0x68: {  	v8 =	vld [tilespmem:s31+$0xFFFFFFB0]  }
0x69: {  	v5 =	vld [tilespmem:s31+$0xFFFFFFC0]  }
0x6a: {  	v3 =	vld [tilespmem:s31+$0xFFFFFFD0]  }
0x6b: {  	v2 =	vld [tilespmem:s31+$0xFFFFFFE0];
	v9 =	vmul.f32 v4, v1  }
0x6c: {  	v4 =	vld [tilespmem:s31+$0xFFFFFFF0];
	v7 =	vmul.f32 v6, v1  }
0x6d: {  	s2 =	simm.s32 $0x0;
	s11 =	sadd.s32 $0x80, s31;
	s0 =	smov.u32 s31;
	v6 =	vld [tilespmem:s31+$0xFFFFFF90];
	v8 =	vmul.f32 v8, v1;
	[tilespmem:s31+$0x0] =	vst v9  }
.LBB2_12:
0x6e: {  	v9 =	vld [tilespmem:s11+$0x0];
	s2 =	sadd.s32 $0x8, s2;
	[tilespmem:s0+$0xFFFFFFA0] =	vst v7;
	v5 =	vmul.f32 v5, v1  }
0x6f: {  	v7 =	vld [tilespmem:s11+$0xFFFFFFA0];
	p0 =	slt.u32 s2, $0x78;
	[tilespmem:s0+$0xFFFFFFB0] =	vst v8;
	v3 =	vmul.f32 v3, v1  }
0x70: {  	v8 =	vld [tilespmem:s11+$0xFFFFFFB0];
	[tilespmem:s0+$0xFFFFFFC0] =	vst v5;
	v2 =	vmul.f32 v2, v1  }
.Ltmp4:
0x71: {  	v5 =	vld [tilespmem:s11+$0xFFFFFFC0];
	[tilespmem:s0+$0xFFFFFFD0] =	vst v3;
	v4 =	vmul.f32 v4, v1;
	(pc) =	sbr.rel @p0 .LBB2_12-.Ltmp4, $4  }
0x72: {  	v3 =	vld [tilespmem:s11+$0xFFFFFFD0];
	v6 =	vmul.f32 v6, v1;
	[tilespmem:s0+$0xFFFFFFE0] =	vst v2  }
0x73: {  	v2 =	vld [tilespmem:s11+$0xFFFFFFE0];
	v9 =	vmul.f32 v9, v1;
	[tilespmem:s0+$0xFFFFFFF0] =	vst v4  }
0x74: {  	v7 =	vmul.f32 v7, v1;
	v4 =	vld [tilespmem:s11+$0xFFFFFFF0];
	[tilespmem:s0+$0xFFFFFF90] =	vst v6;
	s0 =	smov.u32 s11  }
0x75: {  	s11 =	sadd.s32 $0x80, s11;
	v6 =	vld [tilespmem:s0+$0xFFFFFF90];
	v8 =	vmul.f32 v8, v1;
	[tilespmem:s0+$0x0] =	vst v9  }
0x76: {  	[tilespmem:s0+$0xFFFFFFA0] =	vst v7;
	v5 =	vmul.f32 v5, v1;
	s30 =	sadd.s32 $0x1, s30  }
0x77: {  	[tilespmem:s0+$0xFFFFFFB0] =	vst v8;
	v3 =	vmul.f32 v3, v1;
	p0 =	sne.s32 s30, $0x24  }
.Ltmp5:
0x78: {  	[tilespmem:s0+$0xFFFFFFC0] =	vst v5;
	v2 =	vmul.f32 v2, v1;
	(pc) =	sbr.rel @p0 .LBB2_11-.Ltmp5, $4  }
0x79: {  	[tilespmem:s0+$0xFFFFFFD0] =	vst v3;
	v3 =	vmul.f32 v4, v1  }
0x7a: {  	v1 =	vmul.f32 v6, v1;
	[tilespmem:s0+$0xFFFFFFE0] =	vst v2  }
0x7b: {  	[tilespmem:s0+$0xFFFFFFF0] =	vst v3  }
0x7c: {  	s31 =	sadd.s32 $0x800, s31;
	[tilespmem:s0+$0xFFFFFF90] =	vst v1  }
0x7d: {  	_ =	swait.ge [sflag:s24], $0x66A0  }
0x7e: {  	[sflag:s24] =	ssyncset.done $0x0  }
0x7f: {  	s30 =	simm.s32 $0x24;
	s31 =	simm.s32 $0x12070;
	[sflag:s24] =	ssyncadd.s32 $0xFFFF9960  }
.LBB2_15:
0x80: {  	s0 =	sshll.u32 s30, $0x4  }
0x81: {  	v4 =	vld [tilespmem:s31+$0x0];
	s0 =	sand.u32 $0x3FFFFFF0, s0  }
0x82: {  	v1 =	vld [tilespmem:s0+$0x18E00]  }
0x83: {  	v6 =	vld [tilespmem:s31+$0xFFFFFFA0]  }
0x84: {  	v8 =	vld [tilespmem:s31+$0xFFFFFFB0]  }
0x85: {  	v5 =	vld [tilespmem:s31+$0xFFFFFFC0]  }
0x86: {  	v3 =	vld [tilespmem:s31+$0xFFFFFFD0]  }
0x87: {  	v2 =	vld [tilespmem:s31+$0xFFFFFFE0];
	v9 =	vmul.f32 v4, v1  }
0x88: {  	v4 =	vld [tilespmem:s31+$0xFFFFFFF0];
	v7 =	vmul.f32 v6, v1  }
0x89: {  	s2 =	simm.s32 $0x0;
	s11 =	sadd.s32 $0x80, s31;
	s0 =	smov.u32 s31;
	v6 =	vld [tilespmem:s31+$0xFFFFFF90];
	v8 =	vmul.f32 v8, v1;
	[tilespmem:s31+$0x0] =	vst v9  }
.LBB2_16:
0x8a: {  	v9 =	vld [tilespmem:s11+$0x0];
	s2 =	sadd.s32 $0x8, s2;
	[tilespmem:s0+$0xFFFFFFA0] =	vst v7;
	v5 =	vmul.f32 v5, v1  }
0x8b: {  	v7 =	vld [tilespmem:s11+$0xFFFFFFA0];
	p0 =	slt.u32 s2, $0x78;
	[tilespmem:s0+$0xFFFFFFB0] =	vst v8;
	v3 =	vmul.f32 v3, v1  }
0x8c: {  	v8 =	vld [tilespmem:s11+$0xFFFFFFB0];
	[tilespmem:s0+$0xFFFFFFC0] =	vst v5;
	v2 =	vmul.f32 v2, v1  }
.Ltmp6:
0x8d: {  	v5 =	vld [tilespmem:s11+$0xFFFFFFC0];
	[tilespmem:s0+$0xFFFFFFD0] =	vst v3;
	v4 =	vmul.f32 v4, v1;
	(pc) =	sbr.rel @p0 .LBB2_16-.Ltmp6, $4  }
0x8e: {  	v3 =	vld [tilespmem:s11+$0xFFFFFFD0];
	v6 =	vmul.f32 v6, v1;
	[tilespmem:s0+$0xFFFFFFE0] =	vst v2  }
0x8f: {  	v2 =	vld [tilespmem:s11+$0xFFFFFFE0];
	v9 =	vmul.f32 v9, v1;
	[tilespmem:s0+$0xFFFFFFF0] =	vst v4  }
0x90: {  	v7 =	vmul.f32 v7, v1;
	v4 =	vld [tilespmem:s11+$0xFFFFFFF0];
	[tilespmem:s0+$0xFFFFFF90] =	vst v6;
	s0 =	smov.u32 s11  }
0x91: {  	s11 =	sadd.s32 $0x80, s11;
	v6 =	vld [tilespmem:s0+$0xFFFFFF90];
	v8 =	vmul.f32 v8, v1;
	[tilespmem:s0+$0x0] =	vst v9  }
0x92: {  	[tilespmem:s0+$0xFFFFFFA0] =	vst v7;
	v5 =	vmul.f32 v5, v1;
	s30 =	sadd.s32 $0x1, s30  }
0x93: {  	[tilespmem:s0+$0xFFFFFFB0] =	vst v8;
	v3 =	vmul.f32 v3, v1;
	p0 =	sne.s32 s30, $0x30  }
.Ltmp7:
0x94: {  	[tilespmem:s0+$0xFFFFFFC0] =	vst v5;
	v2 =	vmul.f32 v2, v1;
	(pc) =	sbr.rel @p0 .LBB2_15-.Ltmp7, $4  }
0x95: {  	[tilespmem:s0+$0xFFFFFFD0] =	vst v3;
	v3 =	vmul.f32 v4, v1  }
0x96: {  	v1 =	vmul.f32 v6, v1;
	[tilespmem:s0+$0xFFFFFFE0] =	vst v2  }
0x97: {  	[tilespmem:s0+$0xFFFFFFF0] =	vst v3  }
0x98: {  	s31 =	sadd.s32 $0x800, s31;
	[tilespmem:s0+$0xFFFFFF90] =	vst v1  }
0x99: {  	s31 =	simm.s32 $0x18070;
	v1 =	vld [tilespmem:$0x19100]  }
0x9a: {  	v4 =	vld [tilespmem:s31+$0x0]  }
0x9b: {  	v6 =	vld [tilespmem:s31+$0xFFFFFFA0]  }
0x9c: {  	v8 =	vld [tilespmem:s31+$0xFFFFFFB0]  }
0x9d: {  	v5 =	vld [tilespmem:s31+$0xFFFFFFC0]  }
0x9e: {  	v3 =	vld [tilespmem:s31+$0xFFFFFFD0]  }
0x9f: {  	v2 =	vld [tilespmem:s31+$0xFFFFFFE0];
	v9 =	vmul.f32 v4, v1  }
0xa0: {  	v4 =	vld [tilespmem:s31+$0xFFFFFFF0];
	v7 =	vmul.f32 v6, v1  }
0xa1: {  	s0 =	simm.s32 $0x0;
	s2 =	simm.s32 $0x180F0;
	v6 =	vld [tilespmem:s31+$0xFFFFFF90];
	v8 =	vmul.f32 v8, v1;
	[tilespmem:s31+$0x0] =	vst v9  }
.LBB2_19:
0xa2: {  	v9 =	vld [tilespmem:s2+$0x0];
	s0 =	sadd.s32 $0x8, s0;
	[tilespmem:s31+$0xFFFFFFA0] =	vst v7;
	v5 =	vmul.f32 v5, v1  }
0xa3: {  	v7 =	vld [tilespmem:s2+$0xFFFFFFA0];
	p0 =	slt.u32 s0, $0x60;
	[tilespmem:s31+$0xFFFFFFB0] =	vst v8;
	v3 =	vmul.f32 v3, v1  }
0xa4: {  	v8 =	vld [tilespmem:s2+$0xFFFFFFB0];
	[tilespmem:s31+$0xFFFFFFC0] =	vst v5;
	v2 =	vmul.f32 v2, v1  }
.Ltmp8:
0xa5: {  	v5 =	vld [tilespmem:s2+$0xFFFFFFC0];
	[tilespmem:s31+$0xFFFFFFD0] =	vst v3;
	v4 =	vmul.f32 v4, v1;
	(pc) =	sbr.rel @p0 .LBB2_19-.Ltmp8, $4  }
0xa6: {  	v3 =	vld [tilespmem:s2+$0xFFFFFFD0];
	v6 =	vmul.f32 v6, v1;
	[tilespmem:s31+$0xFFFFFFE0] =	vst v2  }
0xa7: {  	v2 =	vld [tilespmem:s2+$0xFFFFFFE0];
	v9 =	vmul.f32 v9, v1;
	[tilespmem:s31+$0xFFFFFFF0] =	vst v4  }
0xa8: {  	v7 =	vmul.f32 v7, v1;
	v4 =	vld [tilespmem:s2+$0xFFFFFFF0];
	[tilespmem:s31+$0xFFFFFF90] =	vst v6;
	s31 =	smov.u32 s2  }
0xa9: {  	s30 =	simm.s32 $0x0;
	s2 =	sadd.s32 $0x80, s2;
	v6 =	vld [tilespmem:s31+$0xFFFFFF90];
	v8 =	vmul.f32 v8, v1;
	[tilespmem:s31+$0x0] =	vst v9  }
0xaa: {  	[tilespmem:s31+$0xFFFFFFA0] =	vst v7;
	v5 =	vmul.f32 v5, v1  }
0xab: {  	[tilespmem:s31+$0xFFFFFFB0] =	vst v8;
	v3 =	vmul.f32 v3, v1  }
0xac: {  	[tilespmem:s31+$0xFFFFFFC0] =	vst v5;
	v2 =	vmul.f32 v2, v1  }
0xad: {  	[tilespmem:s31+$0xFFFFFFD0] =	vst v3;
	v3 =	vmul.f32 v4, v1  }
0xae: {  	v63 =	vmul.f32 v6, v1;
	[tilespmem:s31+$0xFFFFFFE0] =	vst v2  }
0xaf: {  	[tilespmem:s31+$0xFFFFFFF0] =	vst v3  }
0xb0: {  	s0 =	simm.s32 $0x0;
	[tilespmem:s31+$0xFFFFFF90] =	vst v63  }
.LBB2_21:
0xb1: {  	s2 =	sshra.s32 s0, $0x2  }
0xb2: {  	v2 =	vld [tilespmem:s2+$0x18680];
	_ =	sdelay $0x1  }
0xb3: {  	p0 =	sne.s32 s0, $0x40  }
.Ltmp9:
0xb4: {  	_ = 	snop;
	(pc) =	sbr.rel @p0 .LBB2_21-.Ltmp9, $3  }
0xb5: {  	_ = 	snop  }
0xb6: {  	v2 =	vmul.f32 v2, v1;
	_ =	sdelay $0x1  }
0xb7: {  	s0 =	sadd.s32 $0x40, s0;
	[tilespmem:s2+$0x18680] =	vst v2  }
.LBB2_22:
0xb8: {  	s0 =	sshra.s32 s30, $0x2  }
0xb9: {  	v1 =	vld [tilespmem:s0+$0x18700];
	_ =	sdelay $0x4  }
0xba: {  	v2 =	vand.u32 $0x3FF, v1;
	_ =	sdelay $0x4  }
0xbb: {  	v3 =	vld [tilespmem:s0+$0x18A80];
	[tilespmem:v2+s25+$0x0] =	vst.idx.msk $0xffff, v0  }
0xbc: {  	v2 =	vld.idx.msk [tilespmem:v2+s25+$0x0], $0xffff;
	_ =	sdelay $0x4  }
0xbd: {  	vm0 =	veq.s32 v2, v0  }
0xbe: {  	v2 =	vmpcnt.ones.xlane vm0;
	_ =	sdelay $0x1  }
0xbf: {  	v2 =	vxor.u32 $0x80000000, v2  }
0xc0: {  	(xrf0) =	vmax.scan.msk.u32 $0xffff, v2;
	_ =	sdelay $0x5  }
0xc1: {  	v2, _, _ =	vpop (xrf0)  }
0xc2: {  	(v2sf) =	vpush v2, $0xF;
	_ =	sdelay $0xe  }
0xc3: {  	s31 =	spop (v2sf)  }
0xc4: {  	p0 =	sne.s32 s31, $0x80000010  }
0xc5: {  	vm0 =	vcmask @p0 $0x704  }
0xc6: {  	vm1 =	vcmask @p0 $0xB08  }
0xc7: {  	vm2 =	vcmask @p0 $0xF0C  }
0xc8: {  	vm3 =	vcmask @p0 $0x1310  }
0xc9: {  	s0 =	simm.s32 @p0 $0x0;
	vm4 =	vcmask @p0 $0x1714  }
0xca: {  	vm5 =	vcmask @p0 $0x1B18;
	[tilespmem:v1+s0+$0x0] =	vst.idx.add.f32.msk @p0 $0x1, v3  }
0xcb: {  	[tilespmem:v1+s0+$0x0] =	vst.idx.add.f32.msk @p0 vm0, v3;
	vm0 =	vcmask @p0 $0x1F1C  }
0xcc: {  	[tilespmem:v1+s0+$0x0] =	vst.idx.add.f32.msk @p0 vm1, v3;
	vm1 =	vcmask @p0 $0x2320  }
0xcd: {  	[tilespmem:v1+s0+$0x0] =	vst.idx.add.f32.msk @p0 vm2, v3;
	vm2 =	vcmask @p0 $0x2724  }
0xce: {  	[tilespmem:v1+s0+$0x0] =	vst.idx.add.f32.msk @p0 vm3, v3;
	vm3 =	vcmask @p0 $0x2B28  }
0xcf: {  	[tilespmem:v1+s0+$0x0] =	vst.idx.add.f32.msk @p0 vm4, v3;
	vm4 =	vcmask @p0 $0x2F2C  }
0xd0: {  	[tilespmem:v1+s0+$0x0] =	vst.idx.add.f32.msk @p0 vm5, v3;
	vm5 =	vcmask @p0 $0x3330  }
0xd1: {  	[tilespmem:v1+s0+$0x0] =	vst.idx.add.f32.msk @p0 vm0, v3;
	vm0 =	vcmask @p0 $0x3734  }
0xd2: {  	[tilespmem:v1+s0+$0x0] =	vst.idx.add.f32.msk @p0 vm1, v3;
	vm1 =	vcmask @p0 $0x3B38  }
0xd3: {  	[tilespmem:v1+s0+$0x0] =	vst.idx.add.f32.msk @p0 vm2, v3;
	vm2 =	vcmask @p0 $0x3F3C  }
0xd4: {  	s30 =	sadd.s32 $0x40, s30;
	[tilespmem:v1+s0+$0x0] =	vst.idx.add.f32.msk @p0 vm3, v3  }
0xd5: {  	p1 =	sne.s32 s30, $0xC80;
	[tilespmem:v1+s0+$0x0] =	vst.idx.add.f32.msk @p0 vm4, v3  }
.Ltmp10:
0xd6: {  	[tilespmem:v1+s0+$0x0] =	vst.idx.add.f32.msk @p0 vm5, v3;
	(pc) =	sbr.rel @p1 .LBB2_22-.Ltmp10, $4  }
0xd7: {  	[tilespmem:v1+s0+$0x0] =	vst.idx.add.f32.msk @p0 vm0, v3  }
0xd8: {  	[tilespmem:v1+s0+$0x0] =	vst.idx.add.f32.msk @p0 vm1, v3  }
0xd9: {  	[tilespmem:v1+s0+$0x0] =	vst.idx.add.f32.msk @p0 vm2, v3;
	s0 =	simm.s32 @!p0 $0x0  }
0xda: {  	[tilespmem:v1+s0+$0x0] =	vst.idx.add.f32.msk @!p0 $0xffff, v3  }
0xdb: {  	s0 =	sadd.s32 s10, s29;
	s28 =	sadd.s32 $0x1, s28  }
0xdc: {  	s0 =	sshrl.u32 s0, $0x3;
	p0 =	sne.s32 s28, $0x8  }
.Ltmp11:
0xdd: {  	s0 =	sadd.s32 s9, s0;
	(pc) =	sbr.rel @p0 .LBB2_2-.Ltmp11, $4  }
0xde: {  	[hbm4b:s0+s15] =	stream.strided.scatter [tilespmem:s3], [sflag:$0x5], $0x18700, s16, s15, $0x38;
	[tilespmem:$0x19580] =	vst v63  }
0xdf: {  	_ =	swait.ge [sflag:s18], $0x18700  }
0xe0: {  	[sflag:s18] =	ssyncset.done $0x0  }
0xe1: {  	[sflag:s18] =	ssyncadd.s32 $0xFFFE7900  }
0xe2: {  	s26 =	sadd.s32 $0x1, s26;
	s0 =	rddreg [dreg:$0x3]  }
0xe3: {  	p0 =	sne.s32 s26, s0  }
.Ltmp12:
0xe4: {  	_ = 	snop;
	(pc) =	sbr.rel @p0 .LBB2_1-.Ltmp12, $1  }
0xe5: {  	_ =	sdelay $0x3  }
0xe6: {  	_ =	sfence.sel $0x180000  }
0xe7: {  	[bflag:$0x0] =	sbarrier.arrive $0xFFFF  }
0xe8: {  	_ =	strace $0x9000004A  }
0xe9: {  	s0 =	stileid.u32;
	[bflag:$0x2] =	sbarrier.arrive $0xFFFF  }
0xea: {  	p0 =	sne.s32 s0, $0x0;
	s0 =	rddreg [dreg:$0x2]  }
0xeb: {  	s0 =	sadd.s32 @!p0 $0x100000, s0  }
0xec: {  	[sflag:s0] =	ssyncadd.tile.s32 @!p0 $0x1;
	_ =	shalt  }
.Lfunc_end2:
_tile_overlayer_lowered:
.L_overlay_start_2:
0xed: {  	(tag) =	ssettag $0x2  }
0xee: {  	s0 =	rddreg [dreg:$0x0];
	s2 =	stileid.u32  }
0xef: {  	s1 =	rddreg [dreg:$0x1];
	p0 =	sne.s32 s2, $0x0  }
0xf0: {  	s3 =	rddreg [dreg:$0x2];
	[bflag:$0x3] =	sbarrier.arrive $0xFFFF;
	s2 =	simm.s32 @!p0 $0x1C05  }
0xf1: {  	[timem:s3], [sflag:s2] =	dma.local @!p0 [hbm:s0], s1  }
0xf2: {  	s0 =	simm.s32 @!p0 $0x5  }
0xf3: {  	_ =	swait.ge @!p0 [sflag:s0], s1  }
0xf4: {  	s1 =	ssub.s32 @!p0 $0x0, s1;
	[sflag:s0] =	ssyncset.done @!p0 $0x0  }
0xf5: {  	[sflag:s0] =	ssyncadd.s32 @!p0 s1  }
0xf6: {  	[bflag:$0x3] =	sbarrier.arrive $0xFFFF  }
0xf7: {  	_ =	shalt  }

// kernel: sparse-core-data-format-call.cloned.1.call-start
scs
called_computation_lowered:
.L_overlay_start_0:
0x0: {  	s1 =	sld [smem:$0x3FD9]  }
0x1: {  	s2 =	sld [smem:$0x3FFE];
	_ =	sdelay $0x1  }
0x2: {  	s3 =	srdreg.scid  }
0x3: {  	s0 =	sand.u32 $0x1, s3  }
0x4: {  	s17 =	sshll.u32 s0, $0xA;
	s1 =	sadd.s32 s2, s1  }
0x5: {  	s1 =	sadd.s32 s1, s17  }
0x6: {  	[smem:$0x3FBC] =	sst s1  }
0x7: {  	_ = 	snop  }
0x8: {  	(tm) =	ssettm $0x1  }
0x9: {  	s18 =	sld [smem:$0x3FFB];
	_ =	sdelay $0x3  }
0xa: {  	_ =	strace s18  }
0xb: {  	s1 =	sld [smem:$0x3FFC];
	_ =	sdelay $0x3  }
0xc: {  	_ =	strace s1  }
0xd: {  	s1 =	sld [smem:$0x3FFD];
	_ =	sdelay $0x3  }
0xe: {  	_ =	strace s1  }
0xf: {  	_ =	strace $0x8FFFFFFF  }
0x10: {  	s19 =	sld [smem:$0x3FDB];
	_ =	sdelay $0x1  }
0x11: {  	s20 =	simm.s32 $_scs_section_size  }
0x12: {  	s4 =	simm.s32 $_size__tile_overlayer_lowered;
	s5 =	simm.s32 $_tile_overlayer_lowered  }
0x13: {  	s23 =	simm.s32 $0x1BFF;
	s22 =	sshll.u32 s5, $0x1;
	s1 =	sadd.s32 s20, s19  }
0x14: {  	s6 =	simm.s32 $0x0;
	s21 =	sshll.u32 s4, $0x1;
	s4 =	sadd.s32 s22, s1  }
0x15: {  	[timem:s6], [sflag:s23] =	dma.local [hbm:s4], s21  }
0x16: {  	_ =	swait.ge [sflag:s23], s21  }
0x17: {  	s2 =	ssub.s32 $0x0, s21;
	[sflag:s23] =	ssyncset.done $0x0  }
0x18: {  	[sflag:s23] =	ssyncadd.s32 s2;
	_ =	sdelay $0x1  }
0x19: {  	s24 =	simm.s32 $0x1B8B  }
0x1a: {  	_ =	swait.ge [sflag:s24], $0x1  }
0x1b: {  	[sflag:s24] =	ssyncset.done $0x0  }
0x1c: {  	s26 =	simm.s32 $0x1B8E;
	s25 =	sld [smem:$0x3FFE];
	[sflag:s24] =	ssyncadd.s32 $0xFFFFFFFF  }
0x1d: {  	s27 =	simm.s32 $execute0_lowered;
	[smem:$0x3FD2] =	sst s26  }
0x1e: {  	s4 =	sshll.u32 s27, $0x1;
	_ =	strace $0x80000046;
	[dreg:$0x1] =	wrdreg $0xFFFFFFFF  }
0x1f: {  	s28 =	simm.s32 $_size_execute0_lowered;
	s1 =	sadd.s32 s1, s4;
	[dreg:$0x0] =	wrdreg $0x0  }
0x20: {  	s4 =	sshll.u32 s28, $0x1;
	[dreg:$0x2] =	wrdreg s1  }
0x21: {  	[dreg:$0x3] =	wrdreg s4  }
0x22: {  	[dreg:$0x4] =	wrdreg $0xC0  }
0x23: {  	_ =	task [dreg:s6], $0x5FFFF  }
0x24: {  	[dreg:$0x1] =	wrdreg $0xFFFFFFFF  }
0x25: {  	[dreg:$0x0] =	wrdreg $0x60  }
0x26: {  	[dreg:$0x2] =	wrdreg s25  }
0x27: {  	[dreg:$0x3] =	wrdreg $0x9  }
0x28: {  	_ =	task.clear_ibuf [dreg:s6], $0x4FFFF;
	_ =	strace $0x90000046  }
0x29: {  	s29 =	simm.s32 $0x9;
	_ =	strace $0x80000048  }
0x2a: {  	_ =	swait.ge [sflag:s29], $0x1  }
0x2b: {  	[sflag:s29] =	ssyncadd.s32 $0xFFFFFFFF  }
0x2c: {  	_ =	strace $0x90000048  }
0x2d: {  	_ =	sfence  }
0x2e: {  	s30 =	sld [smem:$0x0];
	_ =	sdelay $0x2  }
0x2f: {  	s31 =	sshll.u32 s3, $0xD;
	s3 =	sshrl.u32 s3, $0x2  }
0x30: {  	s2 =	sand.u32 $0x4000, s31;
	s1 =	sadd.s32 s3, s30  }
0x31: {  	s0 =	sor.u32 s2, s0;
	s1 =	sshll.u32 s1, $0x11  }
0x32: {  	s0 =	sor.u32 s1, s0  }
0x33: {  	s0 =	sadd.s32 $0x8F2B, s0  }
0x34: {  	[sflag:s0] =	ssyncadd.remote.s32 $0x1  }
0x35: {  	_ =	sfence.sel $0xFFFF  }
0x36: {  	[dreg:$0x0] =	wrdreg $0xFFFFFFFF;
	(pc) =	sbr.abs _section_cstart, $3  }
0x37: {  	[dreg:$0x1] =	wrdreg $0xFFFFFFFF  }
0x38: {  	_ =	task.clear_ibuf [dreg:s6], $0x2FFFF;
	_ =	strace $0x9FFFFFFF  }
0x39: {  	(tm) =	ssettm $0x7FFFFFFF  }
tec
execute0_lowered:
.L_overlay_start_1:
0x0: {  	(tag) =	ssettag $0x1  }
0x1: {  	s1 =	rddreg [dreg:$0x0]  }
0x2: {  	s0 =	rddreg [dreg:$0x1]  }
0x3: {  	_ =	strace $0x80000047;
	s4 =	srdreg.scid;
	s6 =	simm.s32 $0x2  }
0x4: {  	s11 =	simm.s32 $0x0;
	p0 =	por $0x0, $0x0;
	s7 =	simm.s32 $0x18800  }
.Ltmp0:
0x5: {  	s12 =	simm.s32 $0x0;
	s9 =	simm.s32 $0x0;
	(pc) =	sbr.rel .LBB1_1-.Ltmp0, $4  }
0x6: {  	s2 =	sadd.s32 $0x1600, s1;
	s3 =	sadd.s32 $0x311600, s1;
	s5 =	sshll.u32 s4, $0x4  }
0x7: {  	s1 =	stileid.u32;
	s4 =	simm.s32 $0x1;
	s5 =	sand.u32 $0x10, s5  }
0x8: {  	s8 =	simm.s32 $0x0;
	[sflag:s4] =	ssyncpa.u1 $0x0;
	s5 =	sor.u32 s1, s5  }
0x9: {  	[sflag:s6] =	ssyncpa.u1 $0x0;
	s6 =	simm.s32 $0x800;
	s10 =	smov.u32 s5  }
.LBB1_7:
0xa: {  	s13 =	sadd.s32 $0x10, s9  }
0xb: {  	s11 =	sadd.s32 $0x20, s10;
	s15 =	smov.u32 s10;
	p2 =	sgt.s32 s13, $0x30F  }
0xc: {  	p1 =	slt.u32 s8, $0x2;
	s15 =	smov.u32 @p2 s11  }
0xd: {  	s8 =	sadd.s32 $0x1, s8;
	s13 =	simm.s32 @p2 $0x0;
	p2 =	sgt.s32 s15, $0x1F  }
0xe: {  	s15 =	smov.u32 @p2 s5;
	p2 =	sne.s32 s8, $0x33  }
.Ltmp1:
0xf: {  	_ = 	snop;
	(pc) =	sbr.rel @!p2 .LBB1_8-.Ltmp1, $4  }
0x10: {  	s14 =	simm.s32 @!p1 $0x2  }
0x11: {  	s12 =	smov.u32 s10;
	_ =	swait.ge @!p1 [sflag:s14], $0x4000  }
0x12: {  	p0 =	por !p0, !p0;
	s11 =	smov.u32 s9;
	[sflag:s14] =	ssyncset.done @!p1 $0x0  }
0x13: {  	s9 =	smov.u32 s13;
	[sflag:s14] =	ssyncadd.s32 @!p1 $0xFFFFC000;
	s10 =	smov.u32 s15  }
.LBB1_1:
0x14: {  	p1 =	sgt.u32 s8, $0x30  }
0x15: {  	s13 =	smul.u32 @!p1 $0x18800, s10  }
0x16: {  	s14 =	sxor.u32 @!p1 $0xFFFFFFFF, s8  }
0x17: {  	s15 =	sshll.u32 @!p1 s9, $0x7;
	s14 =	sshll.u32 @!p1 s14, $0xE;
	s13 =	sadd.s32 @!p1 s2, s13  }
0x18: {  	s14 =	sand.u32 @!p1 $0x4000, s14;
	s13 =	sadd.s32 @!p1 s15, s13;
	s15 =	simm.s32 @!p1 $0x0  }
0x19: {  	[tilespmem:s14], [sflag:$0x1] =	stream.linear.gather @!p1 [hbm4b:s13+s15], $0x4000, $0x38;
	[tilespmem:$0x10000] =	vst v63  }
0x1a: {  	p1 =	seq.s32 s8, $0x0  }
0x1b: {  	p2 =	seq.s32 @!p1 s8, $0x32  }
0x1c: {  	p1 =	por p1, p2  }
.Ltmp2:
0x1d: {  	_ = 	snop;
	(pc) =	sbr.rel @p1 .LBB1_7-.Ltmp2, $1  }
0x1e: {  	_ =	sdelay $0x3  }
0x1f: {  	s13 =	simm.s32 $0x1;
	_ =	swait.ge [sflag:s4], $0x4000;
	s16 =	sshll.u32 s8, $0xE  }
0x20: {  	s13 =	simm.s32 @!p0 $0x0;
	[sflag:s4] =	ssyncset.done $0x0;
	s31 =	sand.u32 $0x4000, s16  }
0x21: {  	s16 =	simm.s32 $0x0;
	s13 =	sshll.u32 s13, $0xE;
	[sflag:s4] =	ssyncadd.s32 $0xFFFFC000  }
0x22: {  	s14 =	sor.u32 $0x8040, s13;
	s15 =	sor.u32 $0x40, s13;
	s13 =	sor.u32 $0x8000, s31  }
.LBB1_3:
0x23: {  	v0 =	vmov s15;
	_ =	sdelay $0x3  }
0x24: {  	s18 =	simm.s32 $0x0  }
0x25: {  	v6 =	vld.idx.msk [tilespmem:v0+s18+$0x30 ss:$0x1], $0xffff  }
0x26: {  	v7 =	vld.idx.msk [tilespmem:v0+s18+$0xFFFFFFC0 ss:$0x1], $0xffff  }
0x27: {  	v5 =	vld.idx.msk [tilespmem:v0+s18+$0xFFFFFFD0 ss:$0x1], $0xffff  }
0x28: {  	v4 =	vld.idx.msk [tilespmem:v0+s18+$0xFFFFFFE0 ss:$0x1], $0xffff  }
0x29: {  	v3 =	vld.idx.msk [tilespmem:v0+s18+$0xFFFFFFF0 ss:$0x1], $0xffff  }
0x2a: {  	v1 =	vld.idx.msk [tilespmem:v0+s18+$0x0 ss:$0x1], $0xffff  }
0x2b: {  	v2 =	vld.idx.msk [tilespmem:v0+s18+$0x10 ss:$0x1], $0xffff;
	[tilespmem:s14+$0x30] =	vst v6  }
0x2c: {  	s17 =	simm.s32 $0x80;
	s19 =	simm.s32 $0x400;
	[tilespmem:s14+$0xFFFFFFC0] =	vst v7;
	v6 =	vld.idx.msk [tilespmem:v0+s18+$0x20 ss:$0x1], $0xffff;
	s18 =	smov.u32 s14  }
.LBB1_4:
0x2d: {  	p1 =	sne.s32 s19, $0xE00;
	v7 =	vld.idx.msk [tilespmem:v0+s17+$0x30 ss:$0x1], $0xffff;
	[tilespmem:s18+$0xFFFFFFD0] =	vst v5  }
0x2e: {  	v8 =	vld.idx.msk [tilespmem:v0+s17+$0xFFFFFFC0 ss:$0x1], $0xffff;
	[tilespmem:s18+$0xFFFFFFE0] =	vst v4  }
0x2f: {  	v5 =	vld.idx.msk [tilespmem:v0+s17+$0xFFFFFFD0 ss:$0x1], $0xffff;
	[tilespmem:s18+$0xFFFFFFF0] =	vst v3  }
.Ltmp3:
0x30: {  	v4 =	vld.idx.msk [tilespmem:v0+s17+$0xFFFFFFE0 ss:$0x1], $0xffff;
	[tilespmem:s18+$0x0] =	vst v1;
	(pc) =	sbr.rel @p1 .LBB1_4-.Ltmp3, $4  }
0x31: {  	v3 =	vld.idx.msk [tilespmem:v0+s17+$0xFFFFFFF0 ss:$0x1], $0xffff;
	[tilespmem:s18+$0x10] =	vst v2  }
0x32: {  	v1 =	vld.idx.msk [tilespmem:v0+s17+$0x0 ss:$0x1], $0xffff;
	[tilespmem:s18+$0x20] =	vst v6;
	s18 =	sadd.s32 $0x800, s18  }
0x33: {  	v2 =	vld.idx.msk [tilespmem:v0+s17+$0x10 ss:$0x1], $0xffff;
	[tilespmem:s18+$0x30] =	vst v7  }
0x34: {  	[tilespmem:s18+$0xFFFFFFC0] =	vst v8;
	v6 =	vld.idx.msk [tilespmem:v0+s17+$0x20 ss:$0x1], $0xffff;
	s17 =	sshra.s32 s19, $0x2;
	s19 =	sadd.s32 $0x200, s19  }
0x35: {  	_ =	sdelay $0x2  }
0x36: {  	[tilespmem:s18+$0xFFFFFFD0] =	vst v5  }
0x37: {  	v56 =	vld.idx.msk [tilespmem:v0+s17+$0x30 ss:$0x1], $0xffff;
	[tilespmem:s18+$0xFFFFFFE0] =	vst v4  }
0x38: {  	v57 =	vld.idx.msk [tilespmem:v0+s17+$0xFFFFFFC0 ss:$0x1], $0xffff;
	[tilespmem:s18+$0xFFFFFFF0] =	vst v3  }
0x39: {  	v58 =	vld.idx.msk [tilespmem:v0+s17+$0xFFFFFFD0 ss:$0x1], $0xffff;
	[tilespmem:s18+$0x0] =	vst v1  }
0x3a: {  	v59 =	vld.idx.msk [tilespmem:v0+s17+$0xFFFFFFE0 ss:$0x1], $0xffff;
	[tilespmem:s18+$0x10] =	vst v2  }
0x3b: {  	v60 =	vld.idx.msk [tilespmem:v0+s17+$0xFFFFFFF0 ss:$0x1], $0xffff;
	s31 =	sadd.s32 $0x800, s18;
	[tilespmem:s18+$0x20] =	vst v6  }
0x3c: {  	v61 =	vld.idx.msk [tilespmem:v0+s17+$0x0 ss:$0x1], $0xffff;
	[tilespmem:s31+$0x30] =	vst v56  }
0x3d: {  	v62 =	vld.idx.msk [tilespmem:v0+s17+$0x10 ss:$0x1], $0xffff;
	s16 =	sadd.s32 $0x1, s16;
	[tilespmem:s31+$0xFFFFFFC0] =	vst v57  }
0x3e: {  	v63 =	vld.idx.msk [tilespmem:v0+s17+$0x20 ss:$0x1], $0xffff;
	p1 =	sne.s32 s16, $0x10;
	[tilespmem:s31+$0xFFFFFFD0] =	vst v58  }
.Ltmp4:
0x3f: {  	[tilespmem:s31+$0xFFFFFFE0] =	vst v59;
	(pc) =	sbr.rel @p1 .LBB1_3-.Ltmp4, $4  }
0x40: {  	[tilespmem:s31+$0xFFFFFFF0] =	vst v60  }
0x41: {  	[tilespmem:s31+$0x0] =	vst v61  }
0x42: {  	[tilespmem:s31+$0x10] =	vst v62  }
0x43: {  	s14 =	sadd.s32 $0x80, s14;
	s15 =	sadd.s32 $0x400, s15;
	[tilespmem:s31+$0x20] =	vst v63  }
0x44: {  	s11 =	sand.u32 $0x1FFFFFF, s11  }
0x45: {  	s14 =	smulhi.u32 $0x14E5E0B, s11;
	_ =	sdelay $0x1  }
0x46: {  	s12 =	smul.u32 $0x18800, s12;
	s14 =	sshrl.u32 s14, $0x2  }
0x47: {  	s14 =	smul.u32 $0x310, s14  }
.Ltmp5:
0x48: {  	_ = 	snop;
	(pc) =	sbr.rel .LBB1_7-.Ltmp5, $4  }
0x49: {  	s11 =	ssub.s32 s11, s14  }
0x4a: {  	s12 =	sadd.s32 s3, s12;
	s11 =	sshll.u32 s11, $0x4  }
0x4b: {  	s11 =	sadd.s32 s11, s12  }
0x4c: {  	[hbm4b:s11+s6] =	stream.strided.scatter [tilespmem:s13], [sflag:$0x2], $0x4000, s7, s6, $0x38;
	[tilespmem:$0x10000] =	vst v63  }
.LBB1_8:
0x4d: {  	_ =	sfence.sel $0x180000  }
0x4e: {  	s2 =	simm.s32 $0x1;
	[bflag:$0x0] =	sbarrier.arrive $0xFFFF  }
0x4f: {  	s31 =	simm.s32 $0x2;
	[sflag:s2] =	ssyncpa.u1 $0x1  }
0x50: {  	[sflag:s31] =	ssyncpa.u1 $0x1  }
0x51: {  	p0 =	sne.s32 s1, $0x0;
	_ =	strace $0x90000047  }
0x52: {  	s0 =	sadd.s32 @!p0 $0x100000, s0;
	[bflag:$0x2] =	sbarrier.arrive $0xFFFF  }
0x53: {  	[sflag:s0] =	ssyncadd.tile.s32 @!p0 $0x1;
	_ =	shalt  }
.Lfunc_end1:
_tile_overlayer_lowered:
.L_overlay_start_2:
0x54: {  	(tag) =	ssettag $0x2  }
0x55: {  	s0 =	rddreg [dreg:$0x0];
	s2 =	stileid.u32  }
0x56: {  	s1 =	rddreg [dreg:$0x1];
	p0 =	sne.s32 s2, $0x0  }
0x57: {  	s3 =	rddreg [dreg:$0x2];
	[bflag:$0x3] =	sbarrier.arrive $0xFFFF;
	s2 =	simm.s32 @!p0 $0x1C01  }
0x58: {  	[timem:s3], [sflag:s2] =	dma.local @!p0 [hbm:s0], s1  }
0x59: {  	s0 =	simm.s32 @!p0 $0x1  }
0x5a: {  	_ =	swait.ge @!p0 [sflag:s0], s1  }
0x5b: {  	s1 =	ssub.s32 @!p0 $0x0, s1;
	[sflag:s0] =	ssyncset.done @!p0 $0x0  }
0x5c: {  	[sflag:s0] =	ssyncadd.s32 @!p0 s1  }
0x5d: {  	[bflag:$0x3] =	sbarrier.arrive $0xFFFF  }
0x5e: {  	_ =	shalt  }

</sc_bundles>
